<compile_context>
chip_gen: v7x
topology: tpu7x:2x2x1
jax: 0.10.2.dev20260603
libtpu: 0.0.44.dev20260713+nightly
codegen_flags: <defaults>
</compile_context>

<pallas_src>
import functools

import jax
import jax.numpy as jnp
from jax import lax
from jax.experimental import pallas as pl
from jax.experimental.pallas import tpu as pltpu
from jax.experimental.pallas import tpu_sc as plsc

_NC = 2
_NS = 16
_NW = _NC * _NS
_CHUNK = 128


_NB = 4


def _make_gather(n, d):
    per_w = n // _NW
    n_chunks = per_w // _CHUNK
    mesh = plsc.VectorSubcoreMesh(core_axis_name="c", subcore_axis_name="s")

    @functools.partial(
        pl.kernel,
        mesh=mesh,
        out_type=jax.ShapeDtypeStruct((n, d), jnp.float32),
        scratch_types=[
            pltpu.VMEM((per_w,), jnp.int32),
            [pltpu.VMEM((_CHUNK, d), jnp.float32) for _ in range(_NB)],
            [pltpu.SemaphoreType.DMA for _ in range(_NB)],
            [pltpu.SemaphoreType.DMA for _ in range(_NB)],
        ],
        compiler_params=pltpu.CompilerParams(use_tc_tiling_on_sc=False),
    )
    def k(idx_hbm, table_hbm, out_hbm, idx_v, bufs, gsems, wsems):
        wid = lax.axis_index("s") * _NC + lax.axis_index("c")
        base = wid * per_w
        pltpu.sync_copy(idx_hbm.at[pl.ds(base, per_w)], idx_v)

        def gather(g, b):
            return pltpu.make_async_copy(
                table_hbm.at[idx_v.at[pl.ds(g * _CHUNK, _CHUNK)]],
                bufs[b],
                gsems[b],
            )

        def write(g, b):
            return pltpu.make_async_copy(
                bufs[b],
                out_hbm.at[pl.ds(base + g * _CHUNK, _CHUNK)],
                wsems[b],
            )

        for b in range(_NB):
            gather(b, b).start()
        for g in range(n_chunks):
            b = g % _NB
            gather(g, b).wait()
            write(g, b).start()
            nxt = g + _NB
            if nxt < n_chunks:
                write(g, b).wait()
                gather(nxt, b).start()
        for g in range(max(0, n_chunks - _NB), n_chunks):
            write(g, g % _NB).wait()

    return k


def kernel(indices, codebook):
    b, t = indices.shape
    d = codebook.shape[1]
    n = b * t
    flat_idx = indices.reshape(n).astype(jnp.int32)
    out = _make_gather(n, d)(flat_idx, codebook)
    return out.reshape(b, t, d)

# --- scband reference (transcript-rebuilt; emitter-appended) ---
"""Pipeline reference for scband-inverse-vector-quantization-17944373362779 (READ-ONLY COPY).

The authoritative reference and input builder live on the scoring server;
editing this copy changes nothing except your own understanding.
"""

import jax, jax.numpy as jnp
import numpy as np


def setup_inputs(seed: int = 0) -> dict:
    key = jax.random.key(seed)
    k1, k2 = jax.random.split(key)
    indices = jax.random.randint(k1, (128, 1024), 0, 8192, dtype=jnp.int64 if jax.config.jax_enable_x64 else jnp.int32).astype(jnp.int32)
    codebook = jax.random.normal(k2, (8192, 64), dtype=jnp.float32)
    return {"indices": indices, "codebook": codebook}


def reference(indices, codebook):
    # Faithful translation of InverseVectorQuantization.forward:
    # xq = index_select(codebook, 0, indices.view(-1)).view(*indices.shape, M+1)
    target_shape = tuple(indices.shape) + (codebook.shape[-1],)
    flat_idx = indices.reshape(-1)
    xq = jnp.take(codebook, flat_idx, axis=0)
    xq = xq.reshape(target_shape)
    return xq

if __name__ == "__main__":
    import jax
    _d = setup_inputs()
    print(jax.jit(kernel)(*tuple(_d.values())))

</pallas_src>

<mosaic_0001>
#map = affine_map<(d0, d1) -> (0)>
#map1 = affine_map<(d0, d1) -> (0, 0)>
module attributes {stable_mosaic.version = 14 : i64} {
  func.func @k(%arg0: i32, %arg1: i32, %arg2: memref<131072xi32, #tpu.memory_space<hbm>>, %arg3: memref<8192x64xf32, #tpu.memory_space<hbm>>, %arg4: memref<131072x64xf32, #tpu.memory_space<hbm>>, %arg5: memref<4096xi32, #tpu.memory_space<vmem>>, %arg6: memref<128x64xf32, #tpu.memory_space<vmem>>, %arg7: memref<128x64xf32, #tpu.memory_space<vmem>>, %arg8: memref<128x64xf32, #tpu.memory_space<vmem>>, %arg9: memref<128x64xf32, #tpu.memory_space<vmem>>, %arg10: memref<!tpu.dma_semaphore, #tpu.memory_space<semaphore_mem>>, %arg11: memref<!tpu.dma_semaphore, #tpu.memory_space<semaphore_mem>>, %arg12: memref<!tpu.dma_semaphore, #tpu.memory_space<semaphore_mem>>, %arg13: memref<!tpu.dma_semaphore, #tpu.memory_space<semaphore_mem>>, %arg14: memref<!tpu.dma_semaphore, #tpu.memory_space<semaphore_mem>>, %arg15: memref<!tpu.dma_semaphore, #tpu.memory_space<semaphore_mem>>, %arg16: memref<!tpu.dma_semaphore, #tpu.memory_space<semaphore_mem>>, %arg17: memref<!tpu.dma_semaphore, #tpu.memory_space<semaphore_mem>>) attributes {dimension_semantics = [#tpu.dimension_semantics<core_parallel>, #tpu.dimension_semantics<subcore_parallel>], iteration_bounds = array<i64: 2, 16>, scalar_prefetch = 0 : i64, scratch_operands = 13 : i64, tpu.core_type = #tpu.core_type<sc_vector_subcore>, window_params = [{transform_indices = #map}, {transform_indices = #map1}, {transform_indices = #map1}]} {
    %mul3A = arith.constant 2 : i32
    %mul3A_0 = arith.muli %arg1, %mul3A : i32
    %add3A = arith.addi %mul3A_0, %arg0 : i32
    %mul3A_1 = arith.constant 4096 : i32
    %mul3A_2 = arith.muli %add3A, %mul3A_1 : i32
    "tpu.region"() ({
      %run_scoped3A = tpu.sem_alloc : memref<!tpu.dma_semaphore, #tpu.memory_space<semaphore_mem>>
      %dma_start3A_705 = tpu.memref_slice %arg2[%mul3A_2] : memref<131072xi32, #tpu.memory_space<hbm>> -> memref<4096xi32, #tpu.memory_space<hbm>>
      %dma_start3A_706 = tpu.memref_slice %arg2[%mul3A_2] : memref<131072xi32, #tpu.memory_space<hbm>> -> memref<4096xi32, #tpu.memory_space<hbm>>
      tpu.enqueue_dma source(%dma_start3A_706 : memref<4096xi32, #tpu.memory_space<hbm>>) target(%arg5 : memref<4096xi32, #tpu.memory_space<vmem>>) target_semaphore(%run_scoped3A : memref<!tpu.dma_semaphore, #tpu.memory_space<semaphore_mem>>)
      %dma_wait3A_707 = tpu.memref_slice %arg2[%mul3A_2] : memref<131072xi32, #tpu.memory_space<hbm>> -> memref<4096xi32, #tpu.memory_space<hbm>>
      %dma_wait3A_708 = tpu.memref_slice %arg2[%mul3A_2] : memref<131072xi32, #tpu.memory_space<hbm>> -> memref<4096xi32, #tpu.memory_space<hbm>>
      tpu.wait_dma2 semaphore(%run_scoped3A : memref<!tpu.dma_semaphore, #tpu.memory_space<semaphore_mem>>) src(%dma_wait3A_708 : memref<4096xi32, #tpu.memory_space<hbm>>) dst(%arg5 : memref<4096xi32, #tpu.memory_space<vmem>>)
      tpu.yield
    }) : () -> ()
    %dma_start3A = arith.constant 0 : i32
    %dma_start3A_3 = tpu.memref_slice %arg5[%dma_start3A] : memref<4096xi32, #tpu.memory_space<vmem>> -> memref<128xi32, #tpu.memory_space<vmem>>
    %dma_start3A_4 = arith.constant 0 : i32
    %dma_start3A_5 = arith.constant 0 : i32
    %dma_start3A_6 = tpu.memref_slice %arg3[%dma_start3A_4, %dma_start3A_5] : memref<8192x64xf32, #tpu.memory_space<hbm>> -> memref<8192x64xf32, #tpu.memory_space<hbm>>
    tpu.enqueue_indirect_dma source(%dma_start3A_6 : memref<8192x64xf32, #tpu.memory_space<hbm>>) target(%arg6 : memref<128x64xf32, #tpu.memory_space<vmem>>) offsets(%dma_start3A_3 : memref<128xi32, #tpu.memory_space<vmem>>) semaphore(%arg10 : memref<!tpu.dma_semaphore, #tpu.memory_space<semaphore_mem>>)
    %dma_start3A_7 = arith.constant 128 : i32
    %dma_start3A_8 = tpu.memref_slice %arg5[%dma_start3A_7] : memref<4096xi32, #tpu.memory_space<vmem>> -> memref<128xi32, #tpu.memory_space<vmem>>
    %dma_start3A_9 = arith.constant 0 : i32
    %dma_start3A_10 = arith.constant 0 : i32
    %dma_start3A_11 = tpu.memref_slice %arg3[%dma_start3A_9, %dma_start3A_10] : memref<8192x64xf32, #tpu.memory_space<hbm>> -> memref<8192x64xf32, #tpu.memory_space<hbm>>
    tpu.enqueue_indirect_dma source(%dma_start3A_11 : memref<8192x64xf32, #tpu.memory_space<hbm>>) target(%arg7 : memref<128x64xf32, #tpu.memory_space<vmem>>) offsets(%dma_start3A_8 : memref<128xi32, #tpu.memory_space<vmem>>) semaphore(%arg11 : memref<!tpu.dma_semaphore, #tpu.memory_space<semaphore_mem>>)
    %dma_start3A_12 = arith.constant 256 : i32
    %dma_start3A_13 = tpu.memref_slice %arg5[%dma_start3A_12] : memref<4096xi32, #tpu.memory_space<vmem>> -> memref<128xi32, #tpu.memory_space<vmem>>
    %dma_start3A_14 = arith.constant 0 : i32
    %dma_start3A_15 = arith.constant 0 : i32
    %dma_start3A_16 = tpu.memref_slice %arg3[%dma_start3A_14, %dma_start3A_15] : memref<8192x64xf32, #tpu.memory_space<hbm>> -> memref<8192x64xf32, #tpu.memory_space<hbm>>
    tpu.enqueue_indirect_dma source(%dma_start3A_16 : memref<8192x64xf32, #tpu.memory_space<hbm>>) target(%arg8 : memref<128x64xf32, #tpu.memory_space<vmem>>) offsets(%dma_start3A_13 : memref<128xi32, #tpu.memory_space<vmem>>) semaphore(%arg12 : memref<!tpu.dma_semaphore, #tpu.memory_space<semaphore_mem>>)
    %dma_start3A_17 = arith.constant 384 : i32
    %dma_start3A_18 = tpu.memref_slice %arg5[%dma_start3A_17] : memref<4096xi32, #tpu.memory_space<vmem>> -> memref<128xi32, #tpu.memory_space<vmem>>
    %dma_start3A_19 = arith.constant 0 : i32
    %dma_start3A_20 = arith.constant 0 : i32
    %dma_start3A_21 = tpu.memref_slice %arg3[%dma_start3A_19, %dma_start3A_20] : memref<8192x64xf32, #tpu.memory_space<hbm>> -> memref<8192x64xf32, #tpu.memory_space<hbm>>
    tpu.enqueue_indirect_dma source(%dma_start3A_21 : memref<8192x64xf32, #tpu.memory_space<hbm>>) target(%arg9 : memref<128x64xf32, #tpu.memory_space<vmem>>) offsets(%dma_start3A_18 : memref<128xi32, #tpu.memory_space<vmem>>) semaphore(%arg13 : memref<!tpu.dma_semaphore, #tpu.memory_space<semaphore_mem>>)
    %dma_wait3A = arith.constant 0 : i32
    %dma_wait3A_22 = tpu.memref_slice %arg5[%dma_wait3A] : memref<4096xi32, #tpu.memory_space<vmem>> -> memref<128xi32, #tpu.memory_space<vmem>>
    %dma_wait3A_23 = arith.constant 0 : i32
    %dma_wait3A_24 = arith.constant 0 : i32
    %dma_wait3A_25 = tpu.memref_slice %arg3[%dma_wait3A_23, %dma_wait3A_24] : memref<8192x64xf32, #tpu.memory_space<hbm>> -> memref<8192x64xf32, #tpu.memory_space<hbm>>
    tpu.wait_indirect_dma semaphore(%arg10 : memref<!tpu.dma_semaphore, #tpu.memory_space<semaphore_mem>>) src(%dma_wait3A_25 : memref<8192x64xf32, #tpu.memory_space<hbm>>) dst(%arg6 : memref<128x64xf32, #tpu.memory_space<vmem>>)
    %add3A_26 = arith.constant 0 : i32
    %add3A_27 = arith.addi %mul3A_2, %add3A_26 : i32
    %dma_start3A_28 = arith.constant 0 : i32
    %dma_start3A_29 = tpu.memref_slice %arg4[%add3A_27, %dma_start3A_28] : memref<131072x64xf32, #tpu.memory_space<hbm>> -> memref<128x64xf32, #tpu.memory_space<hbm>>
    %dma_start3A_30 = arith.constant 0 : i32
    %dma_start3A_31 = tpu.memref_slice %arg4[%add3A_27, %dma_start3A_30] : memref<131072x64xf32, #tpu.memory_space<hbm>> -> memref<128x64xf32, #tpu.memory_space<hbm>>
    tpu.enqueue_dma source(%arg6 : memref<128x64xf32, #tpu.memory_space<vmem>>) target(%dma_start3A_31 : memref<128x64xf32, #tpu.memory_space<hbm>>) target_semaphore(%arg14 : memref<!tpu.dma_semaphore, #tpu.memory_space<semaphore_mem>>)
    %add3A_32 = arith.constant 0 : i32
    %add3A_33 = arith.addi %mul3A_2, %add3A_32 : i32
    %dma_wait3A_34 = arith.constant 0 : i32
    %dma_wait3A_35 = tpu.memref_slice %arg4[%add3A_33, %dma_wait3A_34] : memref<131072x64xf32, #tpu.memory_space<hbm>> -> memref<128x64xf32, #tpu.memory_space<hbm>>
    %dma_wait3A_36 = arith.constant 0 : i32
    %dma_wait3A_37 = tpu.memref_slice %arg4[%add3A_33, %dma_wait3A_36] : memref<131072x64xf32, #tpu.memory_space<hbm>> -> memref<128x64xf32, #tpu.memory_space<hbm>>
    tpu.wait_dma2 semaphore(%arg14 : memref<!tpu.dma_semaphore, #tpu.memory_space<semaphore_mem>>) src(%arg6 : memref<128x64xf32, #tpu.memory_space<vmem>>) dst(%dma_wait3A_37 : memref<128x64xf32, #tpu.memory_space<hbm>>)
    %dma_start3A_38 = arith.constant 512 : i32
    %dma_start3A_39 = tpu.memref_slice %arg5[%dma_start3A_38] : memref<4096xi32, #tpu.memory_space<vmem>> -> memref<128xi32, #tpu.memory_space<vmem>>
    %dma_start3A_40 = arith.constant 0 : i32
    %dma_start3A_41 = arith.constant 0 : i32
    %dma_start3A_42 = tpu.memref_slice %arg3[%dma_start3A_40, %dma_start3A_41] : memref<8192x64xf32, #tpu.memory_space<hbm>> -> memref<8192x64xf32, #tpu.memory_space<hbm>>
    tpu.enqueue_indirect_dma source(%dma_start3A_42 : memref<8192x64xf32, #tpu.memory_space<hbm>>) target(%arg6 : memref<128x64xf32, #tpu.memory_space<vmem>>) offsets(%dma_start3A_39 : memref<128xi32, #tpu.memory_space<vmem>>) semaphore(%arg10 : memref<!tpu.dma_semaphore, #tpu.memory_space<semaphore_mem>>)
    %dma_wait3A_43 = arith.constant 128 : i32
    %dma_wait3A_44 = tpu.memref_slice %arg5[%dma_wait3A_43] : memref<4096xi32, #tpu.memory_space<vmem>> -> memref<128xi32, #tpu.memory_space<vmem>>
    %dma_wait3A_45 = arith.constant 0 : i32
    %dma_wait3A_46 = arith.constant 0 : i32
    %dma_wait3A_47 = tpu.memref_slice %arg3[%dma_wait3A_45, %dma_wait3A_46] : memref<8192x64xf32, #tpu.memory_space<hbm>> -> memref<8192x64xf32, #tpu.memory_space<hbm>>
    tpu.wait_indirect_dma semaphore(%arg11 : memref<!tpu.dma_semaphore, #tpu.memory_space<semaphore_mem>>) src(%dma_wait3A_47 : memref<8192x64xf32, #tpu.memory_space<hbm>>) dst(%arg7 : memref<128x64xf32, #tpu.memory_space<vmem>>)
    %add3A_48 = arith.constant 128 : i32
    %add3A_49 = arith.addi %mul3A_2, %add3A_48 : i32
    %dma_start3A_50 = arith.constant 0 : i32
    %dma_start3A_51 = tpu.memref_slice %arg4[%add3A_49, %dma_start3A_50] : memref<131072x64xf32, #tpu.memory_space<hbm>> -> memref<128x64xf32, #tpu.memory_space<hbm>>
    %dma_start3A_52 = arith.constant 0 : i32
    %dma_start3A_53 = tpu.memref_slice %arg4[%add3A_49, %dma_start3A_52] : memref<131072x64xf32, #tpu.memory_space<hbm>> -> memref<128x64xf32, #tpu.memory_space<hbm>>
    tpu.enqueue_dma source(%arg7 : memref<128x64xf32, #tpu.memory_space<vmem>>) target(%dma_start3A_53 : memref<128x64xf32, #tpu.memory_space<hbm>>) target_semaphore(%arg15 : memref<!tpu.dma_semaphore, #tpu.memory_space<semaphore_mem>>)
    %add3A_54 = arith.constant 128 : i32
    %add3A_55 = arith.addi %mul3A_2, %add3A_54 : i32
    %dma_wait3A_56 = arith.constant 0 : i32
    %dma_wait3A_57 = tpu.memref_slice %arg4[%add3A_55, %dma_wait3A_56] : memref<131072x64xf32, #tpu.memory_space<hbm>> -> memref<128x64xf32, #tpu.memory_space<hbm>>
    %dma_wait3A_58 = arith.constant 0 : i32
    %dma_wait3A_59 = tpu.memref_slice %arg4[%add3A_55, %dma_wait3A_58] : memref<131072x64xf32, #tpu.memory_space<hbm>> -> memref<128x64xf32, #tpu.memory_space<hbm>>
    tpu.wait_dma2 semaphore(%arg15 : memref<!tpu.dma_semaphore, #tpu.memory_space<semaphore_mem>>) src(%arg7 : memref<128x64xf32, #tpu.memory_space<vmem>>) dst(%dma_wait3A_59 : memref<128x64xf32, #tpu.memory_space<hbm>>)
    %dma_start3A_60 = arith.constant 640 : i32
    %dma_start3A_61 = tpu.memref_slice %arg5[%dma_start3A_60] : memref<4096xi32, #tpu.memory_space<vmem>> -> memref<128xi32, #tpu.memory_space<vmem>>
    %dma_start3A_62 = arith.constant 0 : i32
    %dma_start3A_63 = arith.constant 0 : i32
    %dma_start3A_64 = tpu.memref_slice %arg3[%dma_start3A_62, %dma_start3A_63] : memref<8192x64xf32, #tpu.memory_space<hbm>> -> memref<8192x64xf32, #tpu.memory_space<hbm>>
    tpu.enqueue_indirect_dma source(%dma_start3A_64 : memref<8192x64xf32, #tpu.memory_space<hbm>>) target(%arg7 : memref<128x64xf32, #tpu.memory_space<vmem>>) offsets(%dma_start3A_61 : memref<128xi32, #tpu.memory_space<vmem>>) semaphore(%arg11 : memref<!tpu.dma_semaphore, #tpu.memory_space<semaphore_mem>>)
    %dma_wait3A_65 = arith.constant 256 : i32
    %dma_wait3A_66 = tpu.memref_slice %arg5[%dma_wait3A_65] : memref<4096xi32, #tpu.memory_space<vmem>> -> memref<128xi32, #tpu.memory_space<vmem>>
    %dma_wait3A_67 = arith.constant 0 : i32
    %dma_wait3A_68 = arith.constant 0 : i32
    %dma_wait3A_69 = tpu.memref_slice %arg3[%dma_wait3A_67, %dma_wait3A_68] : memref<8192x64xf32, #tpu.memory_space<hbm>> -> memref<8192x64xf32, #tpu.memory_space<hbm>>
    tpu.wait_indirect_dma semaphore(%arg12 : memref<!tpu.dma_semaphore, #tpu.memory_space<semaphore_mem>>) src(%dma_wait3A_69 : memref<8192x64xf32, #tpu.memory_space<hbm>>) dst(%arg8 : memref<128x64xf32, #tpu.memory_space<vmem>>)
    %add3A_70 = arith.constant 256 : i32
    %add3A_71 = arith.addi %mul3A_2, %add3A_70 : i32
    %dma_start3A_72 = arith.constant 0 : i32
    %dma_start3A_73 = tpu.memref_slice %arg4[%add3A_71, %dma_start3A_72] : memref<131072x64xf32, #tpu.memory_space<hbm>> -> memref<128x64xf32, #tpu.memory_space<hbm>>
    %dma_start3A_74 = arith.constant 0 : i32
    %dma_start3A_75 = tpu.memref_slice %arg4[%add3A_71, %dma_start3A_74] : memref<131072x64xf32, #tpu.memory_space<hbm>> -> memref<128x64xf32, #tpu.memory_space<hbm>>
    tpu.enqueue_dma source(%arg8 : memref<128x64xf32, #tpu.memory_space<vmem>>) target(%dma_start3A_75 : memref<128x64xf32, #tpu.memory_space<hbm>>) target_semaphore(%arg16 : memref<!tpu.dma_semaphore, #tpu.memory_space<semaphore_mem>>)
    %add3A_76 = arith.constant 256 : i32
    %add3A_77 = arith.addi %mul3A_2, %add3A_76 : i32
    %dma_wait3A_78 = arith.constant 0 : i32
    %dma_wait3A_79 = tpu.memref_slice %arg4[%add3A_77, %dma_wait3A_78] : memref<131072x64xf32, #tpu.memory_space<hbm>> -> memref<128x64xf32, #tpu.memory_space<hbm>>
    %dma_wait3A_80 = arith.constant 0 : i32
    %dma_wait3A_81 = tpu.memref_slice %arg4[%add3A_77, %dma_wait3A_80] : memref<131072x64xf32, #tpu.memory_space<hbm>> -> memref<128x64xf32, #tpu.memory_space<hbm>>
    tpu.wait_dma2 semaphore(%arg16 : memref<!tpu.dma_semaphore, #tpu.memory_space<semaphore_mem>>) src(%arg8 : memref<128x64xf32, #tpu.memory_space<vmem>>) dst(%dma_wait3A_81 : memref<128x64xf32, #tpu.memory_space<hbm>>)
    %dma_start3A_82 = arith.constant 768 : i32
    %dma_start3A_83 = tpu.memref_slice %arg5[%dma_start3A_82] : memref<4096xi32, #tpu.memory_space<vmem>> -> memref<128xi32, #tpu.memory_space<vmem>>
    %dma_start3A_84 = arith.constant 0 : i32
    %dma_start3A_85 = arith.constant 0 : i32
    %dma_start3A_86 = tpu.memref_slice %arg3[%dma_start3A_84, %dma_start3A_85] : memref<8192x64xf32, #tpu.memory_space<hbm>> -> memref<8192x64xf32, #tpu.memory_space<hbm>>
    tpu.enqueue_indirect_dma source(%dma_start3A_86 : memref<8192x64xf32, #tpu.memory_space<hbm>>) target(%arg8 : memref<128x64xf32, #tpu.memory_space<vmem>>) offsets(%dma_start3A_83 : memref<128xi32, #tpu.memory_space<vmem>>) semaphore(%arg12 : memref<!tpu.dma_semaphore, #tpu.memory_space<semaphore_mem>>)
    %dma_wait3A_87 = arith.constant 384 : i32
    %dma_wait3A_88 = tpu.memref_slice %arg5[%dma_wait3A_87] : memref<4096xi32, #tpu.memory_space<vmem>> -> memref<128xi32, #tpu.memory_space<vmem>>
    %dma_wait3A_89 = arith.constant 0 : i32
    %dma_wait3A_90 = arith.constant 0 : i32
    %dma_wait3A_91 = tpu.memref_slice %arg3[%dma_wait3A_89, %dma_wait3A_90] : memref<8192x64xf32, #tpu.memory_space<hbm>> -> memref<8192x64xf32, #tpu.memory_space<hbm>>
    tpu.wait_indirect_dma semaphore(%arg13 : memref<!tpu.dma_semaphore, #tpu.memory_space<semaphore_mem>>) src(%dma_wait3A_91 : memref<8192x64xf32, #tpu.memory_space<hbm>>) dst(%arg9 : memref<128x64xf32, #tpu.memory_space<vmem>>)
    %add3A_92 = arith.constant 384 : i32
    %add3A_93 = arith.addi %mul3A_2, %add3A_92 : i32
    %dma_start3A_94 = arith.constant 0 : i32
    %dma_start3A_95 = tpu.memref_slice %arg4[%add3A_93, %dma_start3A_94] : memref<131072x64xf32, #tpu.memory_space<hbm>> -> memref<128x64xf32, #tpu.memory_space<hbm>>
    %dma_start3A_96 = arith.constant 0 : i32
    %dma_start3A_97 = tpu.memref_slice %arg4[%add3A_93, %dma_start3A_96] : memref<131072x64xf32, #tpu.memory_space<hbm>> -> memref<128x64xf32, #tpu.memory_space<hbm>>
    tpu.enqueue_dma source(%arg9 : memref<128x64xf32, #tpu.memory_space<vmem>>) target(%dma_start3A_97 : memref<128x64xf32, #tpu.memory_space<hbm>>) target_semaphore(%arg17 : memref<!tpu.dma_semaphore, #tpu.memory_space<semaphore_mem>>)
    %add3A_98 = arith.constant 384 : i32
    %add3A_99 = arith.addi %mul3A_2, %add3A_98 : i32
    %dma_wait3A_100 = arith.constant 0 : i32
    %dma_wait3A_101 = tpu.memref_slice %arg4[%add3A_99, %dma_wait3A_100] : memref<131072x64xf32, #tpu.memory_space<hbm>> -> memref<128x64xf32, #tpu.memory_space<hbm>>
    %dma_wait3A_102 = arith.constant 0 : i32
    %dma_wait3A_103 = tpu.memref_slice %arg4[%add3A_99, %dma_wait3A_102] : memref<131072x64xf32, #tpu.memory_space<hbm>> -> memref<128x64xf32, #tpu.memory_space<hbm>>
    tpu.wait_dma2 semaphore(%arg17 : memref<!tpu.dma_semaphore, #tpu.memory_space<semaphore_mem>>) src(%arg9 : memref<128x64xf32, #tpu.memory_space<vmem>>) dst(%dma_wait3A_103 : memref<128x64xf32, #tpu.memory_space<hbm>>)
    %dma_start3A_104 = arith.constant 896 : i32
    %dma_start3A_105 = tpu.memref_slice %arg5[%dma_start3A_104] : memref<4096xi32, #tpu.memory_space<vmem>> -> memref<128xi32, #tpu.memory_space<vmem>>
    %dma_start3A_106 = arith.constant 0 : i32
    %dma_start3A_107 = arith.constant 0 : i32
    %dma_start3A_108 = tpu.memref_slice %arg3[%dma_start3A_106, %dma_start3A_107] : memref<8192x64xf32, #tpu.memory_space<hbm>> -> memref<8192x64xf32, #tpu.memory_space<hbm>>
    tpu.enqueue_indirect_dma source(%dma_start3A_108 : memref<8192x64xf32, #tpu.memory_space<hbm>>) target(%arg9 : memref<128x64xf32, #tpu.memory_space<vmem>>) offsets(%dma_start3A_105 : memref<128xi32, #tpu.memory_space<vmem>>) semaphore(%arg13 : memref<!tpu.dma_semaphore, #tpu.memory_space<semaphore_mem>>)
    %dma_wait3A_109 = arith.constant 512 : i32
    %dma_wait3A_110 = tpu.memref_slice %arg5[%dma_wait3A_109] : memref<4096xi32, #tpu.memory_space<vmem>> -> memref<128xi32, #tpu.memory_space<vmem>>
    %dma_wait3A_111 = arith.constant 0 : i32
    %dma_wait3A_112 = arith.constant 0 : i32
    %dma_wait3A_113 = tpu.memref_slice %arg3[%dma_wait3A_111, %dma_wait3A_112] : memref<8192x64xf32, #tpu.memory_space<hbm>> -> memref<8192x64xf32, #tpu.memory_space<hbm>>
    tpu.wait_indirect_dma semaphore(%arg10 : memref<!tpu.dma_semaphore, #tpu.memory_space<semaphore_mem>>) src(%dma_wait3A_113 : memref<8192x64xf32, #tpu.memory_space<hbm>>) dst(%arg6 : memref<128x64xf32, #tpu.memory_space<vmem>>)
    %add3A_114 = arith.constant 512 : i32
    %add3A_115 = arith.addi %mul3A_2, %add3A_114 : i32
    %dma_start3A_116 = arith.constant 0 : i32
    %dma_start3A_117 = tpu.memref_slice %arg4[%add3A_115, %dma_start3A_116] : memref<131072x64xf32, #tpu.memory_space<hbm>> -> memref<128x64xf32, #tpu.memory_space<hbm>>
    %dma_start3A_118 = arith.constant 0 : i32
    %dma_start3A_119 = tpu.memref_slice %arg4[%add3A_115, %dma_start3A_118] : memref<131072x64xf32, #tpu.memory_space<hbm>> -> memref<128x64xf32, #tpu.memory_space<hbm>>
    tpu.enqueue_dma source(%arg6 : memref<128x64xf32, #tpu.memory_space<vmem>>) target(%dma_start3A_119 : memref<128x64xf32, #tpu.memory_space<hbm>>) target_semaphore(%arg14 : memref<!tpu.dma_semaphore, #tpu.memory_space<semaphore_mem>>)
    %add3A_120 = arith.constant 512 : i32
    %add3A_121 = arith.addi %mul3A_2, %add3A_120 : i32
    %dma_wait3A_122 = arith.constant 0 : i32
    %dma_wait3A_123 = tpu.memref_slice %arg4[%add3A_121, %dma_wait3A_122] : memref<131072x64xf32, #tpu.memory_space<hbm>> -> memref<128x64xf32, #tpu.memory_space<hbm>>
    %dma_wait3A_124 = arith.constant 0 : i32
    %dma_wait3A_125 = tpu.memref_slice %arg4[%add3A_121, %dma_wait3A_124] : memref<131072x64xf32, #tpu.memory_space<hbm>> -> memref<128x64xf32, #tpu.memory_space<hbm>>
    tpu.wait_dma2 semaphore(%arg14 : memref<!tpu.dma_semaphore, #tpu.memory_space<semaphore_mem>>) src(%arg6 : memref<128x64xf32, #tpu.memory_space<vmem>>) dst(%dma_wait3A_125 : memref<128x64xf32, #tpu.memory_space<hbm>>)
    %dma_start3A_126 = arith.constant 1024 : i32
    %dma_start3A_127 = tpu.memref_slice %arg5[%dma_start3A_126] : memref<4096xi32, #tpu.memory_space<vmem>> -> memref<128xi32, #tpu.memory_space<vmem>>
    %dma_start3A_128 = arith.constant 0 : i32
    %dma_start3A_129 = arith.constant 0 : i32
    %dma_start3A_130 = tpu.memref_slice %arg3[%dma_start3A_128, %dma_start3A_129] : memref<8192x64xf32, #tpu.memory_space<hbm>> -> memref<8192x64xf32, #tpu.memory_space<hbm>>
    tpu.enqueue_indirect_dma source(%dma_start3A_130 : memref<8192x64xf32, #tpu.memory_space<hbm>>) target(%arg6 : memref<128x64xf32, #tpu.memory_space<vmem>>) offsets(%dma_start3A_127 : memref<128xi32, #tpu.memory_space<vmem>>) semaphore(%arg10 : memref<!tpu.dma_semaphore, #tpu.memory_space<semaphore_mem>>)
    %dma_wait3A_131 = arith.constant 640 : i32
    %dma_wait3A_132 = tpu.memref_slice %arg5[%dma_wait3A_131] : memref<4096xi32, #tpu.memory_space<vmem>> -> memref<128xi32, #tpu.memory_space<vmem>>
    %dma_wait3A_133 = arith.constant 0 : i32
    %dma_wait3A_134 = arith.constant 0 : i32
    %dma_wait3A_135 = tpu.memref_slice %arg3[%dma_wait3A_133, %dma_wait3A_134] : memref<8192x64xf32, #tpu.memory_space<hbm>> -> memref<8192x64xf32, #tpu.memory_space<hbm>>
    tpu.wait_indirect_dma semaphore(%arg11 : memref<!tpu.dma_semaphore, #tpu.memory_space<semaphore_mem>>) src(%dma_wait3A_135 : memref<8192x64xf32, #tpu.memory_space<hbm>>) dst(%arg7 : memref<128x64xf32, #tpu.memory_space<vmem>>)
    %add3A_136 = arith.constant 640 : i32
    %add3A_137 = arith.addi %mul3A_2, %add3A_136 : i32
    %dma_start3A_138 = arith.constant 0 : i32
    %dma_start3A_139 = tpu.memref_slice %arg4[%add3A_137, %dma_start3A_138] : memref<131072x64xf32, #tpu.memory_space<hbm>> -> memref<128x64xf32, #tpu.memory_space<hbm>>
    %dma_start3A_140 = arith.constant 0 : i32
    %dma_start3A_141 = tpu.memref_slice %arg4[%add3A_137, %dma_start3A_140] : memref<131072x64xf32, #tpu.memory_space<hbm>> -> memref<128x64xf32, #tpu.memory_space<hbm>>
    tpu.enqueue_dma source(%arg7 : memref<128x64xf32, #tpu.memory_space<vmem>>) target(%dma_start3A_141 : memref<128x64xf32, #tpu.memory_space<hbm>>) target_semaphore(%arg15 : memref<!tpu.dma_semaphore, #tpu.memory_space<semaphore_mem>>)
    %add3A_142 = arith.constant 640 : i32
    %add3A_143 = arith.addi %mul3A_2, %add3A_142 : i32
    %dma_wait3A_144 = arith.constant 0 : i32
    %dma_wait3A_145 = tpu.memref_slice %arg4[%add3A_143, %dma_wait3A_144] : memref<131072x64xf32, #tpu.memory_space<hbm>> -> memref<128x64xf32, #tpu.memory_space<hbm>>
    %dma_wait3A_146 = arith.constant 0 : i32
    %dma_wait3A_147 = tpu.memref_slice %arg4[%add3A_143, %dma_wait3A_146] : memref<131072x64xf32, #tpu.memory_space<hbm>> -> memref<128x64xf32, #tpu.memory_space<hbm>>
    tpu.wait_dma2 semaphore(%arg15 : memref<!tpu.dma_semaphore, #tpu.memory_space<semaphore_mem>>) src(%arg7 : memref<128x64xf32, #tpu.memory_space<vmem>>) dst(%dma_wait3A_147 : memref<128x64xf32, #tpu.memory_space<hbm>>)
    %dma_start3A_148 = arith.constant 1152 : i32
    %dma_start3A_149 = tpu.memref_slice %arg5[%dma_start3A_148] : memref<4096xi32, #tpu.memory_space<vmem>> -> memref<128xi32, #tpu.memory_space<vmem>>
    %dma_start3A_150 = arith.constant 0 : i32
    %dma_start3A_151 = arith.constant 0 : i32
    %dma_start3A_152 = tpu.memref_slice %arg3[%dma_start3A_150, %dma_start3A_151] : memref<8192x64xf32, #tpu.memory_space<hbm>> -> memref<8192x64xf32, #tpu.memory_space<hbm>>
    tpu.enqueue_indirect_dma source(%dma_start3A_152 : memref<8192x64xf32, #tpu.memory_space<hbm>>) target(%arg7 : memref<128x64xf32, #tpu.memory_space<vmem>>) offsets(%dma_start3A_149 : memref<128xi32, #tpu.memory_space<vmem>>) semaphore(%arg11 : memref<!tpu.dma_semaphore, #tpu.memory_space<semaphore_mem>>)
    %dma_wait3A_153 = arith.constant 768 : i32
    %dma_wait3A_154 = tpu.memref_slice %arg5[%dma_wait3A_153] : memref<4096xi32, #tpu.memory_space<vmem>> -> memref<128xi32, #tpu.memory_space<vmem>>
    %dma_wait3A_155 = arith.constant 0 : i32
    %dma_wait3A_156 = arith.constant 0 : i32
    %dma_wait3A_157 = tpu.memref_slice %arg3[%dma_wait3A_155, %dma_wait3A_156] : memref<8192x64xf32, #tpu.memory_space<hbm>> -> memref<8192x64xf32, #tpu.memory_space<hbm>>
    tpu.wait_indirect_dma semaphore(%arg12 : memref<!tpu.dma_semaphore, #tpu.memory_space<semaphore_mem>>) src(%dma_wait3A_157 : memref<8192x64xf32, #tpu.memory_space<hbm>>) dst(%arg8 : memref<128x64xf32, #tpu.memory_space<vmem>>)
    %add3A_158 = arith.constant 768 : i32
    %add3A_159 = arith.addi %mul3A_2, %add3A_158 : i32
    %dma_start3A_160 = arith.constant 0 : i32
    %dma_start3A_161 = tpu.memref_slice %arg4[%add3A_159, %dma_start3A_160] : memref<131072x64xf32, #tpu.memory_space<hbm>> -> memref<128x64xf32, #tpu.memory_space<hbm>>
    %dma_start3A_162 = arith.constant 0 : i32
    %dma_start3A_163 = tpu.memref_slice %arg4[%add3A_159, %dma_start3A_162] : memref<131072x64xf32, #tpu.memory_space<hbm>> -> memref<128x64xf32, #tpu.memory_space<hbm>>
    tpu.enqueue_dma source(%arg8 : memref<128x64xf32, #tpu.memory_space<vmem>>) target(%dma_start3A_163 : memref<128x64xf32, #tpu.memory_space<hbm>>) target_semaphore(%arg16 : memref<!tpu.dma_semaphore, #tpu.memory_space<semaphore_mem>>)
    %add3A_164 = arith.constant 768 : i32
    %add3A_165 = arith.addi %mul3A_2, %add3A_164 : i32
    %dma_wait3A_166 = arith.constant 0 : i32
    %dma_wait3A_167 = tpu.memref_slice %arg4[%add3A_165, %dma_wait3A_166] : memref<131072x64xf32, #tpu.memory_space<hbm>> -> memref<128x64xf32, #tpu.memory_space<hbm>>
    %dma_wait3A_168 = arith.constant 0 : i32
    %dma_wait3A_169 = tpu.memref_slice %arg4[%add3A_165, %dma_wait3A_168] : memref<131072x64xf32, #tpu.memory_space<hbm>> -> memref<128x64xf32, #tpu.memory_space<hbm>>
    tpu.wait_dma2 semaphore(%arg16 : memref<!tpu.dma_semaphore, #tpu.memory_space<semaphore_mem>>) src(%arg8 : memref<128x64xf32, #tpu.memory_space<vmem>>) dst(%dma_wait3A_169 : memref<128x64xf32, #tpu.memory_space<hbm>>)
    %dma_start3A_170 = arith.constant 1280 : i32
    %dma_start3A_171 = tpu.memref_slice %arg5[%dma_start3A_170] : memref<4096xi32, #tpu.memory_space<vmem>> -> memref<128xi32, #tpu.memory_space<vmem>>
    %dma_start3A_172 = arith.constant 0 : i32
    %dma_start3A_173 = arith.constant 0 : i32
    %dma_start3A_174 = tpu.memref_slice %arg3[%dma_start3A_172, %dma_start3A_173] : memref<8192x64xf32, #tpu.memory_space<hbm>> -> memref<8192x64xf32, #tpu.memory_space<hbm>>
    tpu.enqueue_indirect_dma source(%dma_start3A_174 : memref<8192x64xf32, #tpu.memory_space<hbm>>) target(%arg8 : memref<128x64xf32, #tpu.memory_space<vmem>>) offsets(%dma_start3A_171 : memref<128xi32, #tpu.memory_space<vmem>>) semaphore(%arg12 : memref<!tpu.dma_semaphore, #tpu.memory_space<semaphore_mem>>)
    %dma_wait3A_175 = arith.constant 896 : i32
    %dma_wait3A_176 = tpu.memref_slice %arg5[%dma_wait3A_175] : memref<4096xi32, #tpu.memory_space<vmem>> -> memref<128xi32, #tpu.memory_space<vmem>>
    %dma_wait3A_177 = arith.constant 0 : i32
    %dma_wait3A_178 = arith.constant 0 : i32
    %dma_wait3A_179 = tpu.memref_slice %arg3[%dma_wait3A_177, %dma_wait3A_178] : memref<8192x64xf32, #tpu.memory_space<hbm>> -> memref<8192x64xf32, #tpu.memory_space<hbm>>
    tpu.wait_indirect_dma semaphore(%arg13 : memref<!tpu.dma_semaphore, #tpu.memory_space<semaphore_mem>>) src(%dma_wait3A_179 : memref<8192x64xf32, #tpu.memory_space<hbm>>) dst(%arg9 : memref<128x64xf32, #tpu.memory_space<vmem>>)
    %add3A_180 = arith.constant 896 : i32
    %add3A_181 = arith.addi %mul3A_2, %add3A_180 : i32
    %dma_start3A_182 = arith.constant 0 : i32
    %dma_start3A_183 = tpu.memref_slice %arg4[%add3A_181, %dma_start3A_182] : memref<131072x64xf32, #tpu.memory_space<hbm>> -> memref<128x64xf32, #tpu.memory_space<hbm>>
    %dma_start3A_184 = arith.constant 0 : i32
    %dma_start3A_185 = tpu.memref_slice %arg4[%add3A_181, %dma_start3A_184] : memref<131072x64xf32, #tpu.memory_space<hbm>> -> memref<128x64xf32, #tpu.memory_space<hbm>>
    tpu.enqueue_dma source(%arg9 : memref<128x64xf32, #tpu.memory_space<vmem>>) target(%dma_start3A_185 : memref<128x64xf32, #tpu.memory_space<hbm>>) target_semaphore(%arg17 : memref<!tpu.dma_semaphore, #tpu.memory_space<semaphore_mem>>)
    %add3A_186 = arith.constant 896 : i32
    %add3A_187 = arith.addi %mul3A_2, %add3A_186 : i32
    %dma_wait3A_188 = arith.constant 0 : i32
    %dma_wait3A_189 = tpu.memref_slice %arg4[%add3A_187, %dma_wait3A_188] : memref<131072x64xf32, #tpu.memory_space<hbm>> -> memref<128x64xf32, #tpu.memory_space<hbm>>
    %dma_wait3A_190 = arith.constant 0 : i32
    %dma_wait3A_191 = tpu.memref_slice %arg4[%add3A_187, %dma_wait3A_190] : memref<131072x64xf32, #tpu.memory_space<hbm>> -> memref<128x64xf32, #tpu.memory_space<hbm>>
    tpu.wait_dma2 semaphore(%arg17 : memref<!tpu.dma_semaphore, #tpu.memory_space<semaphore_mem>>) src(%arg9 : memref<128x64xf32, #tpu.memory_space<vmem>>) dst(%dma_wait3A_191 : memref<128x64xf32, #tpu.memory_space<hbm>>)
    %dma_start3A_192 = arith.constant 1408 : i32
    %dma_start3A_193 = tpu.memref_slice %arg5[%dma_start3A_192] : memref<4096xi32, #tpu.memory_space<vmem>> -> memref<128xi32, #tpu.memory_space<vmem>>
    %dma_start3A_194 = arith.constant 0 : i32
    %dma_start3A_195 = arith.constant 0 : i32
    %dma_start3A_196 = tpu.memref_slice %arg3[%dma_start3A_194, %dma_start3A_195] : memref<8192x64xf32, #tpu.memory_space<hbm>> -> memref<8192x64xf32, #tpu.memory_space<hbm>>
    tpu.enqueue_indirect_dma source(%dma_start3A_196 : memref<8192x64xf32, #tpu.memory_space<hbm>>) target(%arg9 : memref<128x64xf32, #tpu.memory_space<vmem>>) offsets(%dma_start3A_193 : memref<128xi32, #tpu.memory_space<vmem>>) semaphore(%arg13 : memref<!tpu.dma_semaphore, #tpu.memory_space<semaphore_mem>>)
    %dma_wait3A_197 = arith.constant 1024 : i32
    %dma_wait3A_198 = tpu.memref_slice %arg5[%dma_wait3A_197] : memref<4096xi32, #tpu.memory_space<vmem>> -> memref<128xi32, #tpu.memory_space<vmem>>
    %dma_wait3A_199 = arith.constant 0 : i32
    %dma_wait3A_200 = arith.constant 0 : i32
    %dma_wait3A_201 = tpu.memref_slice %arg3[%dma_wait3A_199, %dma_wait3A_200] : memref<8192x64xf32, #tpu.memory_space<hbm>> -> memref<8192x64xf32, #tpu.memory_space<hbm>>
    tpu.wait_indirect_dma semaphore(%arg10 : memref<!tpu.dma_semaphore, #tpu.memory_space<semaphore_mem>>) src(%dma_wait3A_201 : memref<8192x64xf32, #tpu.memory_space<hbm>>) dst(%arg6 : memref<128x64xf32, #tpu.memory_space<vmem>>)
    %add3A_202 = arith.constant 1024 : i32
    %add3A_203 = arith.addi %mul3A_2, %add3A_202 : i32
    %dma_start3A_204 = arith.constant 0 : i32
    %dma_start3A_205 = tpu.memref_slice %arg4[%add3A_203, %dma_start3A_204] : memref<131072x64xf32, #tpu.memory_space<hbm>> -> memref<128x64xf32, #tpu.memory_space<hbm>>
    %dma_start3A_206 = arith.constant 0 : i32
    %dma_start3A_207 = tpu.memref_slice %arg4[%add3A_203, %dma_start3A_206] : memref<131072x64xf32, #tpu.memory_space<hbm>> -> memref<128x64xf32, #tpu.memory_space<hbm>>
    tpu.enqueue_dma source(%arg6 : memref<128x64xf32, #tpu.memory_space<vmem>>) target(%dma_start3A_207 : memref<128x64xf32, #tpu.memory_space<hbm>>) target_semaphore(%arg14 : memref<!tpu.dma_semaphore, #tpu.memory_space<semaphore_mem>>)
    %add3A_208 = arith.constant 1024 : i32
    %add3A_209 = arith.addi %mul3A_2, %add3A_208 : i32
    %dma_wait3A_210 = arith.constant 0 : i32
    %dma_wait3A_211 = tpu.memref_slice %arg4[%add3A_209, %dma_wait3A_210] : memref<131072x64xf32, #tpu.memory_space<hbm>> -> memref<128x64xf32, #tpu.memory_space<hbm>>
    %dma_wait3A_212 = arith.constant 0 : i32
    %dma_wait3A_213 = tpu.memref_slice %arg4[%add3A_209, %dma_wait3A_212] : memref<131072x64xf32, #tpu.memory_space<hbm>> -> memref<128x64xf32, #tpu.memory_space<hbm>>
    tpu.wait_dma2 semaphore(%arg14 : memref<!tpu.dma_semaphore, #tpu.memory_space<semaphore_mem>>) src(%arg6 : memref<128x64xf32, #tpu.memory_space<vmem>>) dst(%dma_wait3A_213 : memref<128x64xf32, #tpu.memory_space<hbm>>)
    %dma_start3A_214 = arith.constant 1536 : i32
    %dma_start3A_215 = tpu.memref_slice %arg5[%dma_start3A_214] : memref<4096xi32, #tpu.memory_space<vmem>> -> memref<128xi32, #tpu.memory_space<vmem>>
    %dma_start3A_216 = arith.constant 0 : i32
    %dma_start3A_217 = arith.constant 0 : i32
    %dma_start3A_218 = tpu.memref_slice %arg3[%dma_start3A_216, %dma_start3A_217] : memref<8192x64xf32, #tpu.memory_space<hbm>> -> memref<8192x64xf32, #tpu.memory_space<hbm>>
    tpu.enqueue_indirect_dma source(%dma_start3A_218 : memref<8192x64xf32, #tpu.memory_space<hbm>>) target(%arg6 : memref<128x64xf32, #tpu.memory_space<vmem>>) offsets(%dma_start3A_215 : memref<128xi32, #tpu.memory_space<vmem>>) semaphore(%arg10 : memref<!tpu.dma_semaphore, #tpu.memory_space<semaphore_mem>>)
    %dma_wait3A_219 = arith.constant 1152 : i32
    %dma_wait3A_220 = tpu.memref_slice %arg5[%dma_wait3A_219] : memref<4096xi32, #tpu.memory_space<vmem>> -> memref<128xi32, #tpu.memory_space<vmem>>
    %dma_wait3A_221 = arith.constant 0 : i32
    %dma_wait3A_222 = arith.constant 0 : i32
    %dma_wait3A_223 = tpu.memref_slice %arg3[%dma_wait3A_221, %dma_wait3A_222] : memref<8192x64xf32, #tpu.memory_space<hbm>> -> memref<8192x64xf32, #tpu.memory_space<hbm>>
    tpu.wait_indirect_dma semaphore(%arg11 : memref<!tpu.dma_semaphore, #tpu.memory_space<semaphore_mem>>) src(%dma_wait3A_223 : memref<8192x64xf32, #tpu.memory_space<hbm>>) dst(%arg7 : memref<128x64xf32, #tpu.memory_space<vmem>>)
    %add3A_224 = arith.constant 1152 : i32
    %add3A_225 = arith.addi %mul3A_2, %add3A_224 : i32
    %dma_start3A_226 = arith.constant 0 : i32
    %dma_start3A_227 = tpu.memref_slice %arg4[%add3A_225, %dma_start3A_226] : memref<131072x64xf32, #tpu.memory_space<hbm>> -> memref<128x64xf32, #tpu.memory_space<hbm>>
    %dma_start3A_228 = arith.constant 0 : i32
    %dma_start3A_229 = tpu.memref_slice %arg4[%add3A_225, %dma_start3A_228] : memref<131072x64xf32, #tpu.memory_space<hbm>> -> memref<128x64xf32, #tpu.memory_space<hbm>>
    tpu.enqueue_dma source(%arg7 : memref<128x64xf32, #tpu.memory_space<vmem>>) target(%dma_start3A_229 : memref<128x64xf32, #tpu.memory_space<hbm>>) target_semaphore(%arg15 : memref<!tpu.dma_semaphore, #tpu.memory_space<semaphore_mem>>)
    %add3A_230 = arith.constant 1152 : i32
    %add3A_231 = arith.addi %mul3A_2, %add3A_230 : i32
    %dma_wait3A_232 = arith.constant 0 : i32
    %dma_wait3A_233 = tpu.memref_slice %arg4[%add3A_231, %dma_wait3A_232] : memref<131072x64xf32, #tpu.memory_space<hbm>> -> memref<128x64xf32, #tpu.memory_space<hbm>>
    %dma_wait3A_234 = arith.constant 0 : i32
    %dma_wait3A_235 = tpu.memref_slice %arg4[%add3A_231, %dma_wait3A_234] : memref<131072x64xf32, #tpu.memory_space<hbm>> -> memref<128x64xf32, #tpu.memory_space<hbm>>
    tpu.wait_dma2 semaphore(%arg15 : memref<!tpu.dma_semaphore, #tpu.memory_space<semaphore_mem>>) src(%arg7 : memref<128x64xf32, #tpu.memory_space<vmem>>) dst(%dma_wait3A_235 : memref<128x64xf32, #tpu.memory_space<hbm>>)
    %dma_start3A_236 = arith.constant 1664 : i32
    %dma_start3A_237 = tpu.memref_slice %arg5[%dma_start3A_236] : memref<4096xi32, #tpu.memory_space<vmem>> -> memref<128xi32, #tpu.memory_space<vmem>>
    %dma_start3A_238 = arith.constant 0 : i32
    %dma_start3A_239 = arith.constant 0 : i32
    %dma_start3A_240 = tpu.memref_slice %arg3[%dma_start3A_238, %dma_start3A_239] : memref<8192x64xf32, #tpu.memory_space<hbm>> -> memref<8192x64xf32, #tpu.memory_space<hbm>>
    tpu.enqueue_indirect_dma source(%dma_start3A_240 : memref<8192x64xf32, #tpu.memory_space<hbm>>) target(%arg7 : memref<128x64xf32, #tpu.memory_space<vmem>>) offsets(%dma_start3A_237 : memref<128xi32, #tpu.memory_space<vmem>>) semaphore(%arg11 : memref<!tpu.dma_semaphore, #tpu.memory_space<semaphore_mem>>)
    %dma_wait3A_241 = arith.constant 1280 : i32
    %dma_wait3A_242 = tpu.memref_slice %arg5[%dma_wait3A_241] : memref<4096xi32, #tpu.memory_space<vmem>> -> memref<128xi32, #tpu.memory_space<vmem>>
    %dma_wait3A_243 = arith.constant 0 : i32
    %dma_wait3A_244 = arith.constant 0 : i32
    %dma_wait3A_245 = tpu.memref_slice %arg3[%dma_wait3A_243, %dma_wait3A_244] : memref<8192x64xf32, #tpu.memory_space<hbm>> -> memref<8192x64xf32, #tpu.memory_space<hbm>>
    tpu.wait_indirect_dma semaphore(%arg12 : memref<!tpu.dma_semaphore, #tpu.memory_space<semaphore_mem>>) src(%dma_wait3A_245 : memref<8192x64xf32, #tpu.memory_space<hbm>>) dst(%arg8 : memref<128x64xf32, #tpu.memory_space<vmem>>)
    %add3A_246 = arith.constant 1280 : i32
    %add3A_247 = arith.addi %mul3A_2, %add3A_246 : i32
    %dma_start3A_248 = arith.constant 0 : i32
    %dma_start3A_249 = tpu.memref_slice %arg4[%add3A_247, %dma_start3A_248] : memref<131072x64xf32, #tpu.memory_space<hbm>> -> memref<128x64xf32, #tpu.memory_space<hbm>>
    %dma_start3A_250 = arith.constant 0 : i32
    %dma_start3A_251 = tpu.memref_slice %arg4[%add3A_247, %dma_start3A_250] : memref<131072x64xf32, #tpu.memory_space<hbm>> -> memref<128x64xf32, #tpu.memory_space<hbm>>
    tpu.enqueue_dma source(%arg8 : memref<128x64xf32, #tpu.memory_space<vmem>>) target(%dma_start3A_251 : memref<128x64xf32, #tpu.memory_space<hbm>>) target_semaphore(%arg16 : memref<!tpu.dma_semaphore, #tpu.memory_space<semaphore_mem>>)
    %add3A_252 = arith.constant 1280 : i32
    %add3A_253 = arith.addi %mul3A_2, %add3A_252 : i32
    %dma_wait3A_254 = arith.constant 0 : i32
    %dma_wait3A_255 = tpu.memref_slice %arg4[%add3A_253, %dma_wait3A_254] : memref<131072x64xf32, #tpu.memory_space<hbm>> -> memref<128x64xf32, #tpu.memory_space<hbm>>
    %dma_wait3A_256 = arith.constant 0 : i32
    %dma_wait3A_257 = tpu.memref_slice %arg4[%add3A_253, %dma_wait3A_256] : memref<131072x64xf32, #tpu.memory_space<hbm>> -> memref<128x64xf32, #tpu.memory_space<hbm>>
    tpu.wait_dma2 semaphore(%arg16 : memref<!tpu.dma_semaphore, #tpu.memory_space<semaphore_mem>>) src(%arg8 : memref<128x64xf32, #tpu.memory_space<vmem>>) dst(%dma_wait3A_257 : memref<128x64xf32, #tpu.memory_space<hbm>>)
    %dma_start3A_258 = arith.constant 1792 : i32
    %dma_start3A_259 = tpu.memref_slice %arg5[%dma_start3A_258] : memref<4096xi32, #tpu.memory_space<vmem>> -> memref<128xi32, #tpu.memory_space<vmem>>
    %dma_start3A_260 = arith.constant 0 : i32
    %dma_start3A_261 = arith.constant 0 : i32
    %dma_start3A_262 = tpu.memref_slice %arg3[%dma_start3A_260, %dma_start3A_261] : memref<8192x64xf32, #tpu.memory_space<hbm>> -> memref<8192x64xf32, #tpu.memory_space<hbm>>
    tpu.enqueue_indirect_dma source(%dma_start3A_262 : memref<8192x64xf32, #tpu.memory_space<hbm>>) target(%arg8 : memref<128x64xf32, #tpu.memory_space<vmem>>) offsets(%dma_start3A_259 : memref<128xi32, #tpu.memory_space<vmem>>) semaphore(%arg12 : memref<!tpu.dma_semaphore, #tpu.memory_space<semaphore_mem>>)
    %dma_wait3A_263 = arith.constant 1408 : i32
    %dma_wait3A_264 = tpu.memref_slice %arg5[%dma_wait3A_263] : memref<4096xi32, #tpu.memory_space<vmem>> -> memref<128xi32, #tpu.memory_space<vmem>>
    %dma_wait3A_265 = arith.constant 0 : i32
    %dma_wait3A_266 = arith.constant 0 : i32
    %dma_wait3A_267 = tpu.memref_slice %arg3[%dma_wait3A_265, %dma_wait3A_266] : memref<8192x64xf32, #tpu.memory_space<hbm>> -> memref<8192x64xf32, #tpu.memory_space<hbm>>
    tpu.wait_indirect_dma semaphore(%arg13 : memref<!tpu.dma_semaphore, #tpu.memory_space<semaphore_mem>>) src(%dma_wait3A_267 : memref<8192x64xf32, #tpu.memory_space<hbm>>) dst(%arg9 : memref<128x64xf32, #tpu.memory_space<vmem>>)
    %add3A_268 = arith.constant 1408 : i32
    %add3A_269 = arith.addi %mul3A_2, %add3A_268 : i32
    %dma_start3A_270 = arith.constant 0 : i32
    %dma_start3A_271 = tpu.memref_slice %arg4[%add3A_269, %dma_start3A_270] : memref<131072x64xf32, #tpu.memory_space<hbm>> -> memref<128x64xf32, #tpu.memory_space<hbm>>
    %dma_start3A_272 = arith.constant 0 : i32
    %dma_start3A_273 = tpu.memref_slice %arg4[%add3A_269, %dma_start3A_272] : memref<131072x64xf32, #tpu.memory_space<hbm>> -> memref<128x64xf32, #tpu.memory_space<hbm>>
    tpu.enqueue_dma source(%arg9 : memref<128x64xf32, #tpu.memory_space<vmem>>) target(%dma_start3A_273 : memref<128x64xf32, #tpu.memory_space<hbm>>) target_semaphore(%arg17 : memref<!tpu.dma_semaphore, #tpu.memory_space<semaphore_mem>>)
    %add3A_274 = arith.constant 1408 : i32
    %add3A_275 = arith.addi %mul3A_2, %add3A_274 : i32
    %dma_wait3A_276 = arith.constant 0 : i32
    %dma_wait3A_277 = tpu.memref_slice %arg4[%add3A_275, %dma_wait3A_276] : memref<131072x64xf32, #tpu.memory_space<hbm>> -> memref<128x64xf32, #tpu.memory_space<hbm>>
    %dma_wait3A_278 = arith.constant 0 : i32
    %dma_wait3A_279 = tpu.memref_slice %arg4[%add3A_275, %dma_wait3A_278] : memref<131072x64xf32, #tpu.memory_space<hbm>> -> memref<128x64xf32, #tpu.memory_space<hbm>>
    tpu.wait_dma2 semaphore(%arg17 : memref<!tpu.dma_semaphore, #tpu.memory_space<semaphore_mem>>) src(%arg9 : memref<128x64xf32, #tpu.memory_space<vmem>>) dst(%dma_wait3A_279 : memref<128x64xf32, #tpu.memory_space<hbm>>)
    %dma_start3A_280 = arith.constant 1920 : i32
    %dma_start3A_281 = tpu.memref_slice %arg5[%dma_start3A_280] : memref<4096xi32, #tpu.memory_space<vmem>> -> memref<128xi32, #tpu.memory_space<vmem>>
    %dma_start3A_282 = arith.constant 0 : i32
    %dma_start3A_283 = arith.constant 0 : i32
    %dma_start3A_284 = tpu.memref_slice %arg3[%dma_start3A_282, %dma_start3A_283] : memref<8192x64xf32, #tpu.memory_space<hbm>> -> memref<8192x64xf32, #tpu.memory_space<hbm>>
    tpu.enqueue_indirect_dma source(%dma_start3A_284 : memref<8192x64xf32, #tpu.memory_space<hbm>>) target(%arg9 : memref<128x64xf32, #tpu.memory_space<vmem>>) offsets(%dma_start3A_281 : memref<128xi32, #tpu.memory_space<vmem>>) semaphore(%arg13 : memref<!tpu.dma_semaphore, #tpu.memory_space<semaphore_mem>>)
    %dma_wait3A_285 = arith.constant 1536 : i32
    %dma_wait3A_286 = tpu.memref_slice %arg5[%dma_wait3A_285] : memref<4096xi32, #tpu.memory_space<vmem>> -> memref<128xi32, #tpu.memory_space<vmem>>
    %dma_wait3A_287 = arith.constant 0 : i32
    %dma_wait3A_288 = arith.constant 0 : i32
    %dma_wait3A_289 = tpu.memref_slice %arg3[%dma_wait3A_287, %dma_wait3A_288] : memref<8192x64xf32, #tpu.memory_space<hbm>> -> memref<8192x64xf32, #tpu.memory_space<hbm>>
    tpu.wait_indirect_dma semaphore(%arg10 : memref<!tpu.dma_semaphore, #tpu.memory_space<semaphore_mem>>) src(%dma_wait3A_289 : memref<8192x64xf32, #tpu.memory_space<hbm>>) dst(%arg6 : memref<128x64xf32, #tpu.memory_space<vmem>>)
    %add3A_290 = arith.constant 1536 : i32
    %add3A_291 = arith.addi %mul3A_2, %add3A_290 : i32
    %dma_start3A_292 = arith.constant 0 : i32
    %dma_start3A_293 = tpu.memref_slice %arg4[%add3A_291, %dma_start3A_292] : memref<131072x64xf32, #tpu.memory_space<hbm>> -> memref<128x64xf32, #tpu.memory_space<hbm>>
    %dma_start3A_294 = arith.constant 0 : i32
    %dma_start3A_295 = tpu.memref_slice %arg4[%add3A_291, %dma_start3A_294] : memref<131072x64xf32, #tpu.memory_space<hbm>> -> memref<128x64xf32, #tpu.memory_space<hbm>>
    tpu.enqueue_dma source(%arg6 : memref<128x64xf32, #tpu.memory_space<vmem>>) target(%dma_start3A_295 : memref<128x64xf32, #tpu.memory_space<hbm>>) target_semaphore(%arg14 : memref<!tpu.dma_semaphore, #tpu.memory_space<semaphore_mem>>)
    %add3A_296 = arith.constant 1536 : i32
    %add3A_297 = arith.addi %mul3A_2, %add3A_296 : i32
    %dma_wait3A_298 = arith.constant 0 : i32
    %dma_wait3A_299 = tpu.memref_slice %arg4[%add3A_297, %dma_wait3A_298] : memref<131072x64xf32, #tpu.memory_space<hbm>> -> memref<128x64xf32, #tpu.memory_space<hbm>>
    %dma_wait3A_300 = arith.constant 0 : i32
    %dma_wait3A_301 = tpu.memref_slice %arg4[%add3A_297, %dma_wait3A_300] : memref<131072x64xf32, #tpu.memory_space<hbm>> -> memref<128x64xf32, #tpu.memory_space<hbm>>
    tpu.wait_dma2 semaphore(%arg14 : memref<!tpu.dma_semaphore, #tpu.memory_space<semaphore_mem>>) src(%arg6 : memref<128x64xf32, #tpu.memory_space<vmem>>) dst(%dma_wait3A_301 : memref<128x64xf32, #tpu.memory_space<hbm>>)
    %dma_start3A_302 = arith.constant 2048 : i32
    %dma_start3A_303 = tpu.memref_slice %arg5[%dma_start3A_302] : memref<4096xi32, #tpu.memory_space<vmem>> -> memref<128xi32, #tpu.memory_space<vmem>>
    %dma_start3A_304 = arith.constant 0 : i32
    %dma_start3A_305 = arith.constant 0 : i32
    %dma_start3A_306 = tpu.memref_slice %arg3[%dma_start3A_304, %dma_start3A_305] : memref<8192x64xf32, #tpu.memory_space<hbm>> -> memref<8192x64xf32, #tpu.memory_space<hbm>>
    tpu.enqueue_indirect_dma source(%dma_start3A_306 : memref<8192x64xf32, #tpu.memory_space<hbm>>) target(%arg6 : memref<128x64xf32, #tpu.memory_space<vmem>>) offsets(%dma_start3A_303 : memref<128xi32, #tpu.memory_space<vmem>>) semaphore(%arg10 : memref<!tpu.dma_semaphore, #tpu.memory_space<semaphore_mem>>)
    %dma_wait3A_307 = arith.constant 1664 : i32
    %dma_wait3A_308 = tpu.memref_slice %arg5[%dma_wait3A_307] : memref<4096xi32, #tpu.memory_space<vmem>> -> memref<128xi32, #tpu.memory_space<vmem>>
    %dma_wait3A_309 = arith.constant 0 : i32
    %dma_wait3A_310 = arith.constant 0 : i32
    %dma_wait3A_311 = tpu.memref_slice %arg3[%dma_wait3A_309, %dma_wait3A_310] : memref<8192x64xf32, #tpu.memory_space<hbm>> -> memref<8192x64xf32, #tpu.memory_space<hbm>>
    tpu.wait_indirect_dma semaphore(%arg11 : memref<!tpu.dma_semaphore, #tpu.memory_space<semaphore_mem>>) src(%dma_wait3A_311 : memref<8192x64xf32, #tpu.memory_space<hbm>>) dst(%arg7 : memref<128x64xf32, #tpu.memory_space<vmem>>)
    %add3A_312 = arith.constant 1664 : i32
    %add3A_313 = arith.addi %mul3A_2, %add3A_312 : i32
    %dma_start3A_314 = arith.constant 0 : i32
    %dma_start3A_315 = tpu.memref_slice %arg4[%add3A_313, %dma_start3A_314] : memref<131072x64xf32, #tpu.memory_space<hbm>> -> memref<128x64xf32, #tpu.memory_space<hbm>>
    %dma_start3A_316 = arith.constant 0 : i32
    %dma_start3A_317 = tpu.memref_slice %arg4[%add3A_313, %dma_start3A_316] : memref<131072x64xf32, #tpu.memory_space<hbm>> -> memref<128x64xf32, #tpu.memory_space<hbm>>
    tpu.enqueue_dma source(%arg7 : memref<128x64xf32, #tpu.memory_space<vmem>>) target(%dma_start3A_317 : memref<128x64xf32, #tpu.memory_space<hbm>>) target_semaphore(%arg15 : memref<!tpu.dma_semaphore, #tpu.memory_space<semaphore_mem>>)
    %add3A_318 = arith.constant 1664 : i32
    %add3A_319 = arith.addi %mul3A_2, %add3A_318 : i32
    %dma_wait3A_320 = arith.constant 0 : i32
    %dma_wait3A_321 = tpu.memref_slice %arg4[%add3A_319, %dma_wait3A_320] : memref<131072x64xf32, #tpu.memory_space<hbm>> -> memref<128x64xf32, #tpu.memory_space<hbm>>
    %dma_wait3A_322 = arith.constant 0 : i32
    %dma_wait3A_323 = tpu.memref_slice %arg4[%add3A_319, %dma_wait3A_322] : memref<131072x64xf32, #tpu.memory_space<hbm>> -> memref<128x64xf32, #tpu.memory_space<hbm>>
    tpu.wait_dma2 semaphore(%arg15 : memref<!tpu.dma_semaphore, #tpu.memory_space<semaphore_mem>>) src(%arg7 : memref<128x64xf32, #tpu.memory_space<vmem>>) dst(%dma_wait3A_323 : memref<128x64xf32, #tpu.memory_space<hbm>>)
    %dma_start3A_324 = arith.constant 2176 : i32
    %dma_start3A_325 = tpu.memref_slice %arg5[%dma_start3A_324] : memref<4096xi32, #tpu.memory_space<vmem>> -> memref<128xi32, #tpu.memory_space<vmem>>
    %dma_start3A_326 = arith.constant 0 : i32
    %dma_start3A_327 = arith.constant 0 : i32
    %dma_start3A_328 = tpu.memref_slice %arg3[%dma_start3A_326, %dma_start3A_327] : memref<8192x64xf32, #tpu.memory_space<hbm>> -> memref<8192x64xf32, #tpu.memory_space<hbm>>
    tpu.enqueue_indirect_dma source(%dma_start3A_328 : memref<8192x64xf32, #tpu.memory_space<hbm>>) target(%arg7 : memref<128x64xf32, #tpu.memory_space<vmem>>) offsets(%dma_start3A_325 : memref<128xi32, #tpu.memory_space<vmem>>) semaphore(%arg11 : memref<!tpu.dma_semaphore, #tpu.memory_space<semaphore_mem>>)
    %dma_wait3A_329 = arith.constant 1792 : i32
    %dma_wait3A_330 = tpu.memref_slice %arg5[%dma_wait3A_329] : memref<4096xi32, #tpu.memory_space<vmem>> -> memref<128xi32, #tpu.memory_space<vmem>>
    %dma_wait3A_331 = arith.constant 0 : i32
    %dma_wait3A_332 = arith.constant 0 : i32
    %dma_wait3A_333 = tpu.memref_slice %arg3[%dma_wait3A_331, %dma_wait3A_332] : memref<8192x64xf32, #tpu.memory_space<hbm>> -> memref<8192x64xf32, #tpu.memory_space<hbm>>
    tpu.wait_indirect_dma semaphore(%arg12 : memref<!tpu.dma_semaphore, #tpu.memory_space<semaphore_mem>>) src(%dma_wait3A_333 : memref<8192x64xf32, #tpu.memory_space<hbm>>) dst(%arg8 : memref<128x64xf32, #tpu.memory_space<vmem>>)
    %add3A_334 = arith.constant 1792 : i32
    %add3A_335 = arith.addi %mul3A_2, %add3A_334 : i32
    %dma_start3A_336 = arith.constant 0 : i32
    %dma_start3A_337 = tpu.memref_slice %arg4[%add3A_335, %dma_start3A_336] : memref<131072x64xf32, #tpu.memory_space<hbm>> -> memref<128x64xf32, #tpu.memory_space<hbm>>
    %dma_start3A_338 = arith.constant 0 : i32
    %dma_start3A_339 = tpu.memref_slice %arg4[%add3A_335, %dma_start3A_338] : memref<131072x64xf32, #tpu.memory_space<hbm>> -> memref<128x64xf32, #tpu.memory_space<hbm>>
    tpu.enqueue_dma source(%arg8 : memref<128x64xf32, #tpu.memory_space<vmem>>) target(%dma_start3A_339 : memref<128x64xf32, #tpu.memory_space<hbm>>) target_semaphore(%arg16 : memref<!tpu.dma_semaphore, #tpu.memory_space<semaphore_mem>>)
    %add3A_340 = arith.constant 1792 : i32
    %add3A_341 = arith.addi %mul3A_2, %add3A_340 : i32
    %dma_wait3A_342 = arith.constant 0 : i32
    %dma_wait3A_343 = tpu.memref_slice %arg4[%add3A_341, %dma_wait3A_342] : memref<131072x64xf32, #tpu.memory_space<hbm>> -> memref<128x64xf32, #tpu.memory_space<hbm>>
    %dma_wait3A_344 = arith.constant 0 : i32
    %dma_wait3A_345 = tpu.memref_slice %arg4[%add3A_341, %dma_wait3A_344] : memref<131072x64xf32, #tpu.memory_space<hbm>> -> memref<128x64xf32, #tpu.memory_space<hbm>>
    tpu.wait_dma2 semaphore(%arg16 : memref<!tpu.dma_semaphore, #tpu.memory_space<semaphore_mem>>) src(%arg8 : memref<128x64xf32, #tpu.memory_space<vmem>>) dst(%dma_wait3A_345 : memref<128x64xf32, #tpu.memory_space<hbm>>)
    %dma_start3A_346 = arith.constant 2304 : i32
    %dma_start3A_347 = tpu.memref_slice %arg5[%dma_start3A_346] : memref<4096xi32, #tpu.memory_space<vmem>> -> memref<128xi32, #tpu.memory_space<vmem>>
    %dma_start3A_348 = arith.constant 0 : i32
    %dma_start3A_349 = arith.constant 0 : i32
    %dma_start3A_350 = tpu.memref_slice %arg3[%dma_start3A_348, %dma_start3A_349] : memref<8192x64xf32, #tpu.memory_space<hbm>> -> memref<8192x64xf32, #tpu.memory_space<hbm>>
    tpu.enqueue_indirect_dma source(%dma_start3A_350 : memref<8192x64xf32, #tpu.memory_space<hbm>>) target(%arg8 : memref<128x64xf32, #tpu.memory_space<vmem>>) offsets(%dma_start3A_347 : memref<128xi32, #tpu.memory_space<vmem>>) semaphore(%arg12 : memref<!tpu.dma_semaphore, #tpu.memory_space<semaphore_mem>>)
    %dma_wait3A_351 = arith.constant 1920 : i32
    %dma_wait3A_352 = tpu.memref_slice %arg5[%dma_wait3A_351] : memref<4096xi32, #tpu.memory_space<vmem>> -> memref<128xi32, #tpu.memory_space<vmem>>
    %dma_wait3A_353 = arith.constant 0 : i32
    %dma_wait3A_354 = arith.constant 0 : i32
    %dma_wait3A_355 = tpu.memref_slice %arg3[%dma_wait3A_353, %dma_wait3A_354] : memref<8192x64xf32, #tpu.memory_space<hbm>> -> memref<8192x64xf32, #tpu.memory_space<hbm>>
    tpu.wait_indirect_dma semaphore(%arg13 : memref<!tpu.dma_semaphore, #tpu.memory_space<semaphore_mem>>) src(%dma_wait3A_355 : memref<8192x64xf32, #tpu.memory_space<hbm>>) dst(%arg9 : memref<128x64xf32, #tpu.memory_space<vmem>>)
    %add3A_356 = arith.constant 1920 : i32
    %add3A_357 = arith.addi %mul3A_2, %add3A_356 : i32
    %dma_start3A_358 = arith.constant 0 : i32
    %dma_start3A_359 = tpu.memref_slice %arg4[%add3A_357, %dma_start3A_358] : memref<131072x64xf32, #tpu.memory_space<hbm>> -> memref<128x64xf32, #tpu.memory_space<hbm>>
    %dma_start3A_360 = arith.constant 0 : i32
    %dma_start3A_361 = tpu.memref_slice %arg4[%add3A_357, %dma_start3A_360] : memref<131072x64xf32, #tpu.memory_space<hbm>> -> memref<128x64xf32, #tpu.memory_space<hbm>>
    tpu.enqueue_dma source(%arg9 : memref<128x64xf32, #tpu.memory_space<vmem>>) target(%dma_start3A_361 : memref<128x64xf32, #tpu.memory_space<hbm>>) target_semaphore(%arg17 : memref<!tpu.dma_semaphore, #tpu.memory_space<semaphore_mem>>)
    %add3A_362 = arith.constant 1920 : i32
    %add3A_363 = arith.addi %mul3A_2, %add3A_362 : i32
    %dma_wait3A_364 = arith.constant 0 : i32
    %dma_wait3A_365 = tpu.memref_slice %arg4[%add3A_363, %dma_wait3A_364] : memref<131072x64xf32, #tpu.memory_space<hbm>> -> memref<128x64xf32, #tpu.memory_space<hbm>>
    %dma_wait3A_366 = arith.constant 0 : i32
    %dma_wait3A_367 = tpu.memref_slice %arg4[%add3A_363, %dma_wait3A_366] : memref<131072x64xf32, #tpu.memory_space<hbm>> -> memref<128x64xf32, #tpu.memory_space<hbm>>
    tpu.wait_dma2 semaphore(%arg17 : memref<!tpu.dma_semaphore, #tpu.memory_space<semaphore_mem>>) src(%arg9 : memref<128x64xf32, #tpu.memory_space<vmem>>) dst(%dma_wait3A_367 : memref<128x64xf32, #tpu.memory_space<hbm>>)
    %dma_start3A_368 = arith.constant 2432 : i32
    %dma_start3A_369 = tpu.memref_slice %arg5[%dma_start3A_368] : memref<4096xi32, #tpu.memory_space<vmem>> -> memref<128xi32, #tpu.memory_space<vmem>>
    %dma_start3A_370 = arith.constant 0 : i32
    %dma_start3A_371 = arith.constant 0 : i32
    %dma_start3A_372 = tpu.memref_slice %arg3[%dma_start3A_370, %dma_start3A_371] : memref<8192x64xf32, #tpu.memory_space<hbm>> -> memref<8192x64xf32, #tpu.memory_space<hbm>>
    tpu.enqueue_indirect_dma source(%dma_start3A_372 : memref<8192x64xf32, #tpu.memory_space<hbm>>) target(%arg9 : memref<128x64xf32, #tpu.memory_space<vmem>>) offsets(%dma_start3A_369 : memref<128xi32, #tpu.memory_space<vmem>>) semaphore(%arg13 : memref<!tpu.dma_semaphore, #tpu.memory_space<semaphore_mem>>)
    %dma_wait3A_373 = arith.constant 2048 : i32
    %dma_wait3A_374 = tpu.memref_slice %arg5[%dma_wait3A_373] : memref<4096xi32, #tpu.memory_space<vmem>> -> memref<128xi32, #tpu.memory_space<vmem>>
    %dma_wait3A_375 = arith.constant 0 : i32
    %dma_wait3A_376 = arith.constant 0 : i32
    %dma_wait3A_377 = tpu.memref_slice %arg3[%dma_wait3A_375, %dma_wait3A_376] : memref<8192x64xf32, #tpu.memory_space<hbm>> -> memref<8192x64xf32, #tpu.memory_space<hbm>>
    tpu.wait_indirect_dma semaphore(%arg10 : memref<!tpu.dma_semaphore, #tpu.memory_space<semaphore_mem>>) src(%dma_wait3A_377 : memref<8192x64xf32, #tpu.memory_space<hbm>>) dst(%arg6 : memref<128x64xf32, #tpu.memory_space<vmem>>)
    %add3A_378 = arith.constant 2048 : i32
    %add3A_379 = arith.addi %mul3A_2, %add3A_378 : i32
    %dma_start3A_380 = arith.constant 0 : i32
    %dma_start3A_381 = tpu.memref_slice %arg4[%add3A_379, %dma_start3A_380] : memref<131072x64xf32, #tpu.memory_space<hbm>> -> memref<128x64xf32, #tpu.memory_space<hbm>>
    %dma_start3A_382 = arith.constant 0 : i32
    %dma_start3A_383 = tpu.memref_slice %arg4[%add3A_379, %dma_start3A_382] : memref<131072x64xf32, #tpu.memory_space<hbm>> -> memref<128x64xf32, #tpu.memory_space<hbm>>
    tpu.enqueue_dma source(%arg6 : memref<128x64xf32, #tpu.memory_space<vmem>>) target(%dma_start3A_383 : memref<128x64xf32, #tpu.memory_space<hbm>>) target_semaphore(%arg14 : memref<!tpu.dma_semaphore, #tpu.memory_space<semaphore_mem>>)
    %add3A_384 = arith.constant 2048 : i32
    %add3A_385 = arith.addi %mul3A_2, %add3A_384 : i32
    %dma_wait3A_386 = arith.constant 0 : i32
    %dma_wait3A_387 = tpu.memref_slice %arg4[%add3A_385, %dma_wait3A_386] : memref<131072x64xf32, #tpu.memory_space<hbm>> -> memref<128x64xf32, #tpu.memory_space<hbm>>
    %dma_wait3A_388 = arith.constant 0 : i32
    %dma_wait3A_389 = tpu.memref_slice %arg4[%add3A_385, %dma_wait3A_388] : memref<131072x64xf32, #tpu.memory_space<hbm>> -> memref<128x64xf32, #tpu.memory_space<hbm>>
    tpu.wait_dma2 semaphore(%arg14 : memref<!tpu.dma_semaphore, #tpu.memory_space<semaphore_mem>>) src(%arg6 : memref<128x64xf32, #tpu.memory_space<vmem>>) dst(%dma_wait3A_389 : memref<128x64xf32, #tpu.memory_space<hbm>>)
    %dma_start3A_390 = arith.constant 2560 : i32
    %dma_start3A_391 = tpu.memref_slice %arg5[%dma_start3A_390] : memref<4096xi32, #tpu.memory_space<vmem>> -> memref<128xi32, #tpu.memory_space<vmem>>
    %dma_start3A_392 = arith.constant 0 : i32
    %dma_start3A_393 = arith.constant 0 : i32
    %dma_start3A_394 = tpu.memref_slice %arg3[%dma_start3A_392, %dma_start3A_393] : memref<8192x64xf32, #tpu.memory_space<hbm>> -> memref<8192x64xf32, #tpu.memory_space<hbm>>
    tpu.enqueue_indirect_dma source(%dma_start3A_394 : memref<8192x64xf32, #tpu.memory_space<hbm>>) target(%arg6 : memref<128x64xf32, #tpu.memory_space<vmem>>) offsets(%dma_start3A_391 : memref<128xi32, #tpu.memory_space<vmem>>) semaphore(%arg10 : memref<!tpu.dma_semaphore, #tpu.memory_space<semaphore_mem>>)
    %dma_wait3A_395 = arith.constant 2176 : i32
    %dma_wait3A_396 = tpu.memref_slice %arg5[%dma_wait3A_395] : memref<4096xi32, #tpu.memory_space<vmem>> -> memref<128xi32, #tpu.memory_space<vmem>>
    %dma_wait3A_397 = arith.constant 0 : i32
    %dma_wait3A_398 = arith.constant 0 : i32
    %dma_wait3A_399 = tpu.memref_slice %arg3[%dma_wait3A_397, %dma_wait3A_398] : memref<8192x64xf32, #tpu.memory_space<hbm>> -> memref<8192x64xf32, #tpu.memory_space<hbm>>
    tpu.wait_indirect_dma semaphore(%arg11 : memref<!tpu.dma_semaphore, #tpu.memory_space<semaphore_mem>>) src(%dma_wait3A_399 : memref<8192x64xf32, #tpu.memory_space<hbm>>) dst(%arg7 : memref<128x64xf32, #tpu.memory_space<vmem>>)
    %add3A_400 = arith.constant 2176 : i32
    %add3A_401 = arith.addi %mul3A_2, %add3A_400 : i32
    %dma_start3A_402 = arith.constant 0 : i32
    %dma_start3A_403 = tpu.memref_slice %arg4[%add3A_401, %dma_start3A_402] : memref<131072x64xf32, #tpu.memory_space<hbm>> -> memref<128x64xf32, #tpu.memory_space<hbm>>
    %dma_start3A_404 = arith.constant 0 : i32
    %dma_start3A_405 = tpu.memref_slice %arg4[%add3A_401, %dma_start3A_404] : memref<131072x64xf32, #tpu.memory_space<hbm>> -> memref<128x64xf32, #tpu.memory_space<hbm>>
    tpu.enqueue_dma source(%arg7 : memref<128x64xf32, #tpu.memory_space<vmem>>) target(%dma_start3A_405 : memref<128x64xf32, #tpu.memory_space<hbm>>) target_semaphore(%arg15 : memref<!tpu.dma_semaphore, #tpu.memory_space<semaphore_mem>>)
    %add3A_406 = arith.constant 2176 : i32
    %add3A_407 = arith.addi %mul3A_2, %add3A_406 : i32
    %dma_wait3A_408 = arith.constant 0 : i32
    %dma_wait3A_409 = tpu.memref_slice %arg4[%add3A_407, %dma_wait3A_408] : memref<131072x64xf32, #tpu.memory_space<hbm>> -> memref<128x64xf32, #tpu.memory_space<hbm>>
    %dma_wait3A_410 = arith.constant 0 : i32
    %dma_wait3A_411 = tpu.memref_slice %arg4[%add3A_407, %dma_wait3A_410] : memref<131072x64xf32, #tpu.memory_space<hbm>> -> memref<128x64xf32, #tpu.memory_space<hbm>>
    tpu.wait_dma2 semaphore(%arg15 : memref<!tpu.dma_semaphore, #tpu.memory_space<semaphore_mem>>) src(%arg7 : memref<128x64xf32, #tpu.memory_space<vmem>>) dst(%dma_wait3A_411 : memref<128x64xf32, #tpu.memory_space<hbm>>)
    %dma_start3A_412 = arith.constant 2688 : i32
    %dma_start3A_413 = tpu.memref_slice %arg5[%dma_start3A_412] : memref<4096xi32, #tpu.memory_space<vmem>> -> memref<128xi32, #tpu.memory_space<vmem>>
    %dma_start3A_414 = arith.constant 0 : i32
    %dma_start3A_415 = arith.constant 0 : i32
    %dma_start3A_416 = tpu.memref_slice %arg3[%dma_start3A_414, %dma_start3A_415] : memref<8192x64xf32, #tpu.memory_space<hbm>> -> memref<8192x64xf32, #tpu.memory_space<hbm>>
    tpu.enqueue_indirect_dma source(%dma_start3A_416 : memref<8192x64xf32, #tpu.memory_space<hbm>>) target(%arg7 : memref<128x64xf32, #tpu.memory_space<vmem>>) offsets(%dma_start3A_413 : memref<128xi32, #tpu.memory_space<vmem>>) semaphore(%arg11 : memref<!tpu.dma_semaphore, #tpu.memory_space<semaphore_mem>>)
    %dma_wait3A_417 = arith.constant 2304 : i32
    %dma_wait3A_418 = tpu.memref_slice %arg5[%dma_wait3A_417] : memref<4096xi32, #tpu.memory_space<vmem>> -> memref<128xi32, #tpu.memory_space<vmem>>
    %dma_wait3A_419 = arith.constant 0 : i32
    %dma_wait3A_420 = arith.constant 0 : i32
    %dma_wait3A_421 = tpu.memref_slice %arg3[%dma_wait3A_419, %dma_wait3A_420] : memref<8192x64xf32, #tpu.memory_space<hbm>> -> memref<8192x64xf32, #tpu.memory_space<hbm>>
    tpu.wait_indirect_dma semaphore(%arg12 : memref<!tpu.dma_semaphore, #tpu.memory_space<semaphore_mem>>) src(%dma_wait3A_421 : memref<8192x64xf32, #tpu.memory_space<hbm>>) dst(%arg8 : memref<128x64xf32, #tpu.memory_space<vmem>>)
    %add3A_422 = arith.constant 2304 : i32
    %add3A_423 = arith.addi %mul3A_2, %add3A_422 : i32
    %dma_start3A_424 = arith.constant 0 : i32
    %dma_start3A_425 = tpu.memref_slice %arg4[%add3A_423, %dma_start3A_424] : memref<131072x64xf32, #tpu.memory_space<hbm>> -> memref<128x64xf32, #tpu.memory_space<hbm>>
    %dma_start3A_426 = arith.constant 0 : i32
    %dma_start3A_427 = tpu.memref_slice %arg4[%add3A_423, %dma_start3A_426] : memref<131072x64xf32, #tpu.memory_space<hbm>> -> memref<128x64xf32, #tpu.memory_space<hbm>>
    tpu.enqueue_dma source(%arg8 : memref<128x64xf32, #tpu.memory_space<vmem>>) target(%dma_start3A_427 : memref<128x64xf32, #tpu.memory_space<hbm>>) target_semaphore(%arg16 : memref<!tpu.dma_semaphore, #tpu.memory_space<semaphore_mem>>)
    %add3A_428 = arith.constant 2304 : i32
    %add3A_429 = arith.addi %mul3A_2, %add3A_428 : i32
    %dma_wait3A_430 = arith.constant 0 : i32
    %dma_wait3A_431 = tpu.memref_slice %arg4[%add3A_429, %dma_wait3A_430] : memref<131072x64xf32, #tpu.memory_space<hbm>> -> memref<128x64xf32, #tpu.memory_space<hbm>>
    %dma_wait3A_432 = arith.constant 0 : i32
    %dma_wait3A_433 = tpu.memref_slice %arg4[%add3A_429, %dma_wait3A_432] : memref<131072x64xf32, #tpu.memory_space<hbm>> -> memref<128x64xf32, #tpu.memory_space<hbm>>
    tpu.wait_dma2 semaphore(%arg16 : memref<!tpu.dma_semaphore, #tpu.memory_space<semaphore_mem>>) src(%arg8 : memref<128x64xf32, #tpu.memory_space<vmem>>) dst(%dma_wait3A_433 : memref<128x64xf32, #tpu.memory_space<hbm>>)
    %dma_start3A_434 = arith.constant 2816 : i32
    %dma_start3A_435 = tpu.memref_slice %arg5[%dma_start3A_434] : memref<4096xi32, #tpu.memory_space<vmem>> -> memref<128xi32, #tpu.memory_space<vmem>>
    %dma_start3A_436 = arith.constant 0 : i32
    %dma_start3A_437 = arith.constant 0 : i32
    %dma_start3A_438 = tpu.memref_slice %arg3[%dma_start3A_436, %dma_start3A_437] : memref<8192x64xf32, #tpu.memory_space<hbm>> -> memref<8192x64xf32, #tpu.memory_space<hbm>>
    tpu.enqueue_indirect_dma source(%dma_start3A_438 : memref<8192x64xf32, #tpu.memory_space<hbm>>) target(%arg8 : memref<128x64xf32, #tpu.memory_space<vmem>>) offsets(%dma_start3A_435 : memref<128xi32, #tpu.memory_space<vmem>>) semaphore(%arg12 : memref<!tpu.dma_semaphore, #tpu.memory_space<semaphore_mem>>)
    %dma_wait3A_439 = arith.constant 2432 : i32
    %dma_wait3A_440 = tpu.memref_slice %arg5[%dma_wait3A_439] : memref<4096xi32, #tpu.memory_space<vmem>> -> memref<128xi32, #tpu.memory_space<vmem>>
    %dma_wait3A_441 = arith.constant 0 : i32
    %dma_wait3A_442 = arith.constant 0 : i32
    %dma_wait3A_443 = tpu.memref_slice %arg3[%dma_wait3A_441, %dma_wait3A_442] : memref<8192x64xf32, #tpu.memory_space<hbm>> -> memref<8192x64xf32, #tpu.memory_space<hbm>>
    tpu.wait_indirect_dma semaphore(%arg13 : memref<!tpu.dma_semaphore, #tpu.memory_space<semaphore_mem>>) src(%dma_wait3A_443 : memref<8192x64xf32, #tpu.memory_space<hbm>>) dst(%arg9 : memref<128x64xf32, #tpu.memory_space<vmem>>)
    %add3A_444 = arith.constant 2432 : i32
    %add3A_445 = arith.addi %mul3A_2, %add3A_444 : i32
    %dma_start3A_446 = arith.constant 0 : i32
    %dma_start3A_447 = tpu.memref_slice %arg4[%add3A_445, %dma_start3A_446] : memref<131072x64xf32, #tpu.memory_space<hbm>> -> memref<128x64xf32, #tpu.memory_space<hbm>>
    %dma_start3A_448 = arith.constant 0 : i32
    %dma_start3A_449 = tpu.memref_slice %arg4[%add3A_445, %dma_start3A_448] : memref<131072x64xf32, #tpu.memory_space<hbm>> -> memref<128x64xf32, #tpu.memory_space<hbm>>
    tpu.enqueue_dma source(%arg9 : memref<128x64xf32, #tpu.memory_space<vmem>>) target(%dma_start3A_449 : memref<128x64xf32, #tpu.memory_space<hbm>>) target_semaphore(%arg17 : memref<!tpu.dma_semaphore, #tpu.memory_space<semaphore_mem>>)
    %add3A_450 = arith.constant 2432 : i32
    %add3A_451 = arith.addi %mul3A_2, %add3A_450 : i32
    %dma_wait3A_452 = arith.constant 0 : i32
    %dma_wait3A_453 = tpu.memref_slice %arg4[%add3A_451, %dma_wait3A_452] : memref<131072x64xf32, #tpu.memory_space<hbm>> -> memref<128x64xf32, #tpu.memory_space<hbm>>
    %dma_wait3A_454 = arith.constant 0 : i32
    %dma_wait3A_455 = tpu.memref_slice %arg4[%add3A_451, %dma_wait3A_454] : memref<131072x64xf32, #tpu.memory_space<hbm>> -> memref<128x64xf32, #tpu.memory_space<hbm>>
    tpu.wait_dma2 semaphore(%arg17 : memref<!tpu.dma_semaphore, #tpu.memory_space<semaphore_mem>>) src(%arg9 : memref<128x64xf32, #tpu.memory_space<vmem>>) dst(%dma_wait3A_455 : memref<128x64xf32, #tpu.memory_space<hbm>>)
    %dma_start3A_456 = arith.constant 2944 : i32
    %dma_start3A_457 = tpu.memref_slice %arg5[%dma_start3A_456] : memref<4096xi32, #tpu.memory_space<vmem>> -> memref<128xi32, #tpu.memory_space<vmem>>
    %dma_start3A_458 = arith.constant 0 : i32
    %dma_start3A_459 = arith.constant 0 : i32
    %dma_start3A_460 = tpu.memref_slice %arg3[%dma_start3A_458, %dma_start3A_459] : memref<8192x64xf32, #tpu.memory_space<hbm>> -> memref<8192x64xf32, #tpu.memory_space<hbm>>
    tpu.enqueue_indirect_dma source(%dma_start3A_460 : memref<8192x64xf32, #tpu.memory_space<hbm>>) target(%arg9 : memref<128x64xf32, #tpu.memory_space<vmem>>) offsets(%dma_start3A_457 : memref<128xi32, #tpu.memory_space<vmem>>) semaphore(%arg13 : memref<!tpu.dma_semaphore, #tpu.memory_space<semaphore_mem>>)
    %dma_wait3A_461 = arith.constant 2560 : i32
    %dma_wait3A_462 = tpu.memref_slice %arg5[%dma_wait3A_461] : memref<4096xi32, #tpu.memory_space<vmem>> -> memref<128xi32, #tpu.memory_space<vmem>>
    %dma_wait3A_463 = arith.constant 0 : i32
    %dma_wait3A_464 = arith.constant 0 : i32
    %dma_wait3A_465 = tpu.memref_slice %arg3[%dma_wait3A_463, %dma_wait3A_464] : memref<8192x64xf32, #tpu.memory_space<hbm>> -> memref<8192x64xf32, #tpu.memory_space<hbm>>
    tpu.wait_indirect_dma semaphore(%arg10 : memref<!tpu.dma_semaphore, #tpu.memory_space<semaphore_mem>>) src(%dma_wait3A_465 : memref<8192x64xf32, #tpu.memory_space<hbm>>) dst(%arg6 : memref<128x64xf32, #tpu.memory_space<vmem>>)
    %add3A_466 = arith.constant 2560 : i32
    %add3A_467 = arith.addi %mul3A_2, %add3A_466 : i32
    %dma_start3A_468 = arith.constant 0 : i32
    %dma_start3A_469 = tpu.memref_slice %arg4[%add3A_467, %dma_start3A_468] : memref<131072x64xf32, #tpu.memory_space<hbm>> -> memref<128x64xf32, #tpu.memory_space<hbm>>
    %dma_start3A_470 = arith.constant 0 : i32
    %dma_start3A_471 = tpu.memref_slice %arg4[%add3A_467, %dma_start3A_470] : memref<131072x64xf32, #tpu.memory_space<hbm>> -> memref<128x64xf32, #tpu.memory_space<hbm>>
    tpu.enqueue_dma source(%arg6 : memref<128x64xf32, #tpu.memory_space<vmem>>) target(%dma_start3A_471 : memref<128x64xf32, #tpu.memory_space<hbm>>) target_semaphore(%arg14 : memref<!tpu.dma_semaphore, #tpu.memory_space<semaphore_mem>>)
    %add3A_472 = arith.constant 2560 : i32
    %add3A_473 = arith.addi %mul3A_2, %add3A_472 : i32
    %dma_wait3A_474 = arith.constant 0 : i32
    %dma_wait3A_475 = tpu.memref_slice %arg4[%add3A_473, %dma_wait3A_474] : memref<131072x64xf32, #tpu.memory_space<hbm>> -> memref<128x64xf32, #tpu.memory_space<hbm>>
    %dma_wait3A_476 = arith.constant 0 : i32
    %dma_wait3A_477 = tpu.memref_slice %arg4[%add3A_473, %dma_wait3A_476] : memref<131072x64xf32, #tpu.memory_space<hbm>> -> memref<128x64xf32, #tpu.memory_space<hbm>>
    tpu.wait_dma2 semaphore(%arg14 : memref<!tpu.dma_semaphore, #tpu.memory_space<semaphore_mem>>) src(%arg6 : memref<128x64xf32, #tpu.memory_space<vmem>>) dst(%dma_wait3A_477 : memref<128x64xf32, #tpu.memory_space<hbm>>)
    %dma_start3A_478 = arith.constant 3072 : i32
    %dma_start3A_479 = tpu.memref_slice %arg5[%dma_start3A_478] : memref<4096xi32, #tpu.memory_space<vmem>> -> memref<128xi32, #tpu.memory_space<vmem>>
    %dma_start3A_480 = arith.constant 0 : i32
    %dma_start3A_481 = arith.constant 0 : i32
    %dma_start3A_482 = tpu.memref_slice %arg3[%dma_start3A_480, %dma_start3A_481] : memref<8192x64xf32, #tpu.memory_space<hbm>> -> memref<8192x64xf32, #tpu.memory_space<hbm>>
    tpu.enqueue_indirect_dma source(%dma_start3A_482 : memref<8192x64xf32, #tpu.memory_space<hbm>>) target(%arg6 : memref<128x64xf32, #tpu.memory_space<vmem>>) offsets(%dma_start3A_479 : memref<128xi32, #tpu.memory_space<vmem>>) semaphore(%arg10 : memref<!tpu.dma_semaphore, #tpu.memory_space<semaphore_mem>>)
    %dma_wait3A_483 = arith.constant 2688 : i32
    %dma_wait3A_484 = tpu.memref_slice %arg5[%dma_wait3A_483] : memref<4096xi32, #tpu.memory_space<vmem>> -> memref<128xi32, #tpu.memory_space<vmem>>
    %dma_wait3A_485 = arith.constant 0 : i32
    %dma_wait3A_486 = arith.constant 0 : i32
    %dma_wait3A_487 = tpu.memref_slice %arg3[%dma_wait3A_485, %dma_wait3A_486] : memref<8192x64xf32, #tpu.memory_space<hbm>> -> memref<8192x64xf32, #tpu.memory_space<hbm>>
    tpu.wait_indirect_dma semaphore(%arg11 : memref<!tpu.dma_semaphore, #tpu.memory_space<semaphore_mem>>) src(%dma_wait3A_487 : memref<8192x64xf32, #tpu.memory_space<hbm>>) dst(%arg7 : memref<128x64xf32, #tpu.memory_space<vmem>>)
    %add3A_488 = arith.constant 2688 : i32
    %add3A_489 = arith.addi %mul3A_2, %add3A_488 : i32
    %dma_start3A_490 = arith.constant 0 : i32
    %dma_start3A_491 = tpu.memref_slice %arg4[%add3A_489, %dma_start3A_490] : memref<131072x64xf32, #tpu.memory_space<hbm>> -> memref<128x64xf32, #tpu.memory_space<hbm>>
    %dma_start3A_492 = arith.constant 0 : i32
    %dma_start3A_493 = tpu.memref_slice %arg4[%add3A_489, %dma_start3A_492] : memref<131072x64xf32, #tpu.memory_space<hbm>> -> memref<128x64xf32, #tpu.memory_space<hbm>>
    tpu.enqueue_dma source(%arg7 : memref<128x64xf32, #tpu.memory_space<vmem>>) target(%dma_start3A_493 : memref<128x64xf32, #tpu.memory_space<hbm>>) target_semaphore(%arg15 : memref<!tpu.dma_semaphore, #tpu.memory_space<semaphore_mem>>)
    %add3A_494 = arith.constant 2688 : i32
    %add3A_495 = arith.addi %mul3A_2, %add3A_494 : i32
    %dma_wait3A_496 = arith.constant 0 : i32
    %dma_wait3A_497 = tpu.memref_slice %arg4[%add3A_495, %dma_wait3A_496] : memref<131072x64xf32, #tpu.memory_space<hbm>> -> memref<128x64xf32, #tpu.memory_space<hbm>>
    %dma_wait3A_498 = arith.constant 0 : i32
    %dma_wait3A_499 = tpu.memref_slice %arg4[%add3A_495, %dma_wait3A_498] : memref<131072x64xf32, #tpu.memory_space<hbm>> -> memref<128x64xf32, #tpu.memory_space<hbm>>
    tpu.wait_dma2 semaphore(%arg15 : memref<!tpu.dma_semaphore, #tpu.memory_space<semaphore_mem>>) src(%arg7 : memref<128x64xf32, #tpu.memory_space<vmem>>) dst(%dma_wait3A_499 : memref<128x64xf32, #tpu.memory_space<hbm>>)
    %dma_start3A_500 = arith.constant 3200 : i32
    %dma_start3A_501 = tpu.memref_slice %arg5[%dma_start3A_500] : memref<4096xi32, #tpu.memory_space<vmem>> -> memref<128xi32, #tpu.memory_space<vmem>>
    %dma_start3A_502 = arith.constant 0 : i32
    %dma_start3A_503 = arith.constant 0 : i32
    %dma_start3A_504 = tpu.memref_slice %arg3[%dma_start3A_502, %dma_start3A_503] : memref<8192x64xf32, #tpu.memory_space<hbm>> -> memref<8192x64xf32, #tpu.memory_space<hbm>>
    tpu.enqueue_indirect_dma source(%dma_start3A_504 : memref<8192x64xf32, #tpu.memory_space<hbm>>) target(%arg7 : memref<128x64xf32, #tpu.memory_space<vmem>>) offsets(%dma_start3A_501 : memref<128xi32, #tpu.memory_space<vmem>>) semaphore(%arg11 : memref<!tpu.dma_semaphore, #tpu.memory_space<semaphore_mem>>)
    %dma_wait3A_505 = arith.constant 2816 : i32
    %dma_wait3A_506 = tpu.memref_slice %arg5[%dma_wait3A_505] : memref<4096xi32, #tpu.memory_space<vmem>> -> memref<128xi32, #tpu.memory_space<vmem>>
    %dma_wait3A_507 = arith.constant 0 : i32
    %dma_wait3A_508 = arith.constant 0 : i32
    %dma_wait3A_509 = tpu.memref_slice %arg3[%dma_wait3A_507, %dma_wait3A_508] : memref<8192x64xf32, #tpu.memory_space<hbm>> -> memref<8192x64xf32, #tpu.memory_space<hbm>>
    tpu.wait_indirect_dma semaphore(%arg12 : memref<!tpu.dma_semaphore, #tpu.memory_space<semaphore_mem>>) src(%dma_wait3A_509 : memref<8192x64xf32, #tpu.memory_space<hbm>>) dst(%arg8 : memref<128x64xf32, #tpu.memory_space<vmem>>)
    %add3A_510 = arith.constant 2816 : i32
    %add3A_511 = arith.addi %mul3A_2, %add3A_510 : i32
    %dma_start3A_512 = arith.constant 0 : i32
    %dma_start3A_513 = tpu.memref_slice %arg4[%add3A_511, %dma_start3A_512] : memref<131072x64xf32, #tpu.memory_space<hbm>> -> memref<128x64xf32, #tpu.memory_space<hbm>>
    %dma_start3A_514 = arith.constant 0 : i32
    %dma_start3A_515 = tpu.memref_slice %arg4[%add3A_511, %dma_start3A_514] : memref<131072x64xf32, #tpu.memory_space<hbm>> -> memref<128x64xf32, #tpu.memory_space<hbm>>
    tpu.enqueue_dma source(%arg8 : memref<128x64xf32, #tpu.memory_space<vmem>>) target(%dma_start3A_515 : memref<128x64xf32, #tpu.memory_space<hbm>>) target_semaphore(%arg16 : memref<!tpu.dma_semaphore, #tpu.memory_space<semaphore_mem>>)
    %add3A_516 = arith.constant 2816 : i32
    %add3A_517 = arith.addi %mul3A_2, %add3A_516 : i32
    %dma_wait3A_518 = arith.constant 0 : i32
    %dma_wait3A_519 = tpu.memref_slice %arg4[%add3A_517, %dma_wait3A_518] : memref<131072x64xf32, #tpu.memory_space<hbm>> -> memref<128x64xf32, #tpu.memory_space<hbm>>
    %dma_wait3A_520 = arith.constant 0 : i32
    %dma_wait3A_521 = tpu.memref_slice %arg4[%add3A_517, %dma_wait3A_520] : memref<131072x64xf32, #tpu.memory_space<hbm>> -> memref<128x64xf32, #tpu.memory_space<hbm>>
    tpu.wait_dma2 semaphore(%arg16 : memref<!tpu.dma_semaphore, #tpu.memory_space<semaphore_mem>>) src(%arg8 : memref<128x64xf32, #tpu.memory_space<vmem>>) dst(%dma_wait3A_521 : memref<128x64xf32, #tpu.memory_space<hbm>>)
    %dma_start3A_522 = arith.constant 3328 : i32
    %dma_start3A_523 = tpu.memref_slice %arg5[%dma_start3A_522] : memref<4096xi32, #tpu.memory_space<vmem>> -> memref<128xi32, #tpu.memory_space<vmem>>
    %dma_start3A_524 = arith.constant 0 : i32
    %dma_start3A_525 = arith.constant 0 : i32
    %dma_start3A_526 = tpu.memref_slice %arg3[%dma_start3A_524, %dma_start3A_525] : memref<8192x64xf32, #tpu.memory_space<hbm>> -> memref<8192x64xf32, #tpu.memory_space<hbm>>
    tpu.enqueue_indirect_dma source(%dma_start3A_526 : memref<8192x64xf32, #tpu.memory_space<hbm>>) target(%arg8 : memref<128x64xf32, #tpu.memory_space<vmem>>) offsets(%dma_start3A_523 : memref<128xi32, #tpu.memory_space<vmem>>) semaphore(%arg12 : memref<!tpu.dma_semaphore, #tpu.memory_space<semaphore_mem>>)
    %dma_wait3A_527 = arith.constant 2944 : i32
    %dma_wait3A_528 = tpu.memref_slice %arg5[%dma_wait3A_527] : memref<4096xi32, #tpu.memory_space<vmem>> -> memref<128xi32, #tpu.memory_space<vmem>>
    %dma_wait3A_529 = arith.constant 0 : i32
    %dma_wait3A_530 = arith.constant 0 : i32
    %dma_wait3A_531 = tpu.memref_slice %arg3[%dma_wait3A_529, %dma_wait3A_530] : memref<8192x64xf32, #tpu.memory_space<hbm>> -> memref<8192x64xf32, #tpu.memory_space<hbm>>
    tpu.wait_indirect_dma semaphore(%arg13 : memref<!tpu.dma_semaphore, #tpu.memory_space<semaphore_mem>>) src(%dma_wait3A_531 : memref<8192x64xf32, #tpu.memory_space<hbm>>) dst(%arg9 : memref<128x64xf32, #tpu.memory_space<vmem>>)
    %add3A_532 = arith.constant 2944 : i32
    %add3A_533 = arith.addi %mul3A_2, %add3A_532 : i32
    %dma_start3A_534 = arith.constant 0 : i32
    %dma_start3A_535 = tpu.memref_slice %arg4[%add3A_533, %dma_start3A_534] : memref<131072x64xf32, #tpu.memory_space<hbm>> -> memref<128x64xf32, #tpu.memory_space<hbm>>
    %dma_start3A_536 = arith.constant 0 : i32
    %dma_start3A_537 = tpu.memref_slice %arg4[%add3A_533, %dma_start3A_536] : memref<131072x64xf32, #tpu.memory_space<hbm>> -> memref<128x64xf32, #tpu.memory_space<hbm>>
    tpu.enqueue_dma source(%arg9 : memref<128x64xf32, #tpu.memory_space<vmem>>) target(%dma_start3A_537 : memref<128x64xf32, #tpu.memory_space<hbm>>) target_semaphore(%arg17 : memref<!tpu.dma_semaphore, #tpu.memory_space<semaphore_mem>>)
    %add3A_538 = arith.constant 2944 : i32
    %add3A_539 = arith.addi %mul3A_2, %add3A_538 : i32
    %dma_wait3A_540 = arith.constant 0 : i32
    %dma_wait3A_541 = tpu.memref_slice %arg4[%add3A_539, %dma_wait3A_540] : memref<131072x64xf32, #tpu.memory_space<hbm>> -> memref<128x64xf32, #tpu.memory_space<hbm>>
    %dma_wait3A_542 = arith.constant 0 : i32
    %dma_wait3A_543 = tpu.memref_slice %arg4[%add3A_539, %dma_wait3A_542] : memref<131072x64xf32, #tpu.memory_space<hbm>> -> memref<128x64xf32, #tpu.memory_space<hbm>>
    tpu.wait_dma2 semaphore(%arg17 : memref<!tpu.dma_semaphore, #tpu.memory_space<semaphore_mem>>) src(%arg9 : memref<128x64xf32, #tpu.memory_space<vmem>>) dst(%dma_wait3A_543 : memref<128x64xf32, #tpu.memory_space<hbm>>)
    %dma_start3A_544 = arith.constant 3456 : i32
    %dma_start3A_545 = tpu.memref_slice %arg5[%dma_start3A_544] : memref<4096xi32, #tpu.memory_space<vmem>> -> memref<128xi32, #tpu.memory_space<vmem>>
    %dma_start3A_546 = arith.constant 0 : i32
    %dma_start3A_547 = arith.constant 0 : i32
    %dma_start3A_548 = tpu.memref_slice %arg3[%dma_start3A_546, %dma_start3A_547] : memref<8192x64xf32, #tpu.memory_space<hbm>> -> memref<8192x64xf32, #tpu.memory_space<hbm>>
    tpu.enqueue_indirect_dma source(%dma_start3A_548 : memref<8192x64xf32, #tpu.memory_space<hbm>>) target(%arg9 : memref<128x64xf32, #tpu.memory_space<vmem>>) offsets(%dma_start3A_545 : memref<128xi32, #tpu.memory_space<vmem>>) semaphore(%arg13 : memref<!tpu.dma_semaphore, #tpu.memory_space<semaphore_mem>>)
    %dma_wait3A_549 = arith.constant 3072 : i32
    %dma_wait3A_550 = tpu.memref_slice %arg5[%dma_wait3A_549] : memref<4096xi32, #tpu.memory_space<vmem>> -> memref<128xi32, #tpu.memory_space<vmem>>
    %dma_wait3A_551 = arith.constant 0 : i32
    %dma_wait3A_552 = arith.constant 0 : i32
    %dma_wait3A_553 = tpu.memref_slice %arg3[%dma_wait3A_551, %dma_wait3A_552] : memref<8192x64xf32, #tpu.memory_space<hbm>> -> memref<8192x64xf32, #tpu.memory_space<hbm>>
    tpu.wait_indirect_dma semaphore(%arg10 : memref<!tpu.dma_semaphore, #tpu.memory_space<semaphore_mem>>) src(%dma_wait3A_553 : memref<8192x64xf32, #tpu.memory_space<hbm>>) dst(%arg6 : memref<128x64xf32, #tpu.memory_space<vmem>>)
    %add3A_554 = arith.constant 3072 : i32
    %add3A_555 = arith.addi %mul3A_2, %add3A_554 : i32
    %dma_start3A_556 = arith.constant 0 : i32
    %dma_start3A_557 = tpu.memref_slice %arg4[%add3A_555, %dma_start3A_556] : memref<131072x64xf32, #tpu.memory_space<hbm>> -> memref<128x64xf32, #tpu.memory_space<hbm>>
    %dma_start3A_558 = arith.constant 0 : i32
    %dma_start3A_559 = tpu.memref_slice %arg4[%add3A_555, %dma_start3A_558] : memref<131072x64xf32, #tpu.memory_space<hbm>> -> memref<128x64xf32, #tpu.memory_space<hbm>>
    tpu.enqueue_dma source(%arg6 : memref<128x64xf32, #tpu.memory_space<vmem>>) target(%dma_start3A_559 : memref<128x64xf32, #tpu.memory_space<hbm>>) target_semaphore(%arg14 : memref<!tpu.dma_semaphore, #tpu.memory_space<semaphore_mem>>)
    %add3A_560 = arith.constant 3072 : i32
    %add3A_561 = arith.addi %mul3A_2, %add3A_560 : i32
    %dma_wait3A_562 = arith.constant 0 : i32
    %dma_wait3A_563 = tpu.memref_slice %arg4[%add3A_561, %dma_wait3A_562] : memref<131072x64xf32, #tpu.memory_space<hbm>> -> memref<128x64xf32, #tpu.memory_space<hbm>>
    %dma_wait3A_564 = arith.constant 0 : i32
    %dma_wait3A_565 = tpu.memref_slice %arg4[%add3A_561, %dma_wait3A_564] : memref<131072x64xf32, #tpu.memory_space<hbm>> -> memref<128x64xf32, #tpu.memory_space<hbm>>
    tpu.wait_dma2 semaphore(%arg14 : memref<!tpu.dma_semaphore, #tpu.memory_space<semaphore_mem>>) src(%arg6 : memref<128x64xf32, #tpu.memory_space<vmem>>) dst(%dma_wait3A_565 : memref<128x64xf32, #tpu.memory_space<hbm>>)
    %dma_start3A_566 = arith.constant 3584 : i32
    %dma_start3A_567 = tpu.memref_slice %arg5[%dma_start3A_566] : memref<4096xi32, #tpu.memory_space<vmem>> -> memref<128xi32, #tpu.memory_space<vmem>>
    %dma_start3A_568 = arith.constant 0 : i32
    %dma_start3A_569 = arith.constant 0 : i32
    %dma_start3A_570 = tpu.memref_slice %arg3[%dma_start3A_568, %dma_start3A_569] : memref<8192x64xf32, #tpu.memory_space<hbm>> -> memref<8192x64xf32, #tpu.memory_space<hbm>>
    tpu.enqueue_indirect_dma source(%dma_start3A_570 : memref<8192x64xf32, #tpu.memory_space<hbm>>) target(%arg6 : memref<128x64xf32, #tpu.memory_space<vmem>>) offsets(%dma_start3A_567 : memref<128xi32, #tpu.memory_space<vmem>>) semaphore(%arg10 : memref<!tpu.dma_semaphore, #tpu.memory_space<semaphore_mem>>)
    %dma_wait3A_571 = arith.constant 3200 : i32
    %dma_wait3A_572 = tpu.memref_slice %arg5[%dma_wait3A_571] : memref<4096xi32, #tpu.memory_space<vmem>> -> memref<128xi32, #tpu.memory_space<vmem>>
    %dma_wait3A_573 = arith.constant 0 : i32
    %dma_wait3A_574 = arith.constant 0 : i32
    %dma_wait3A_575 = tpu.memref_slice %arg3[%dma_wait3A_573, %dma_wait3A_574] : memref<8192x64xf32, #tpu.memory_space<hbm>> -> memref<8192x64xf32, #tpu.memory_space<hbm>>
    tpu.wait_indirect_dma semaphore(%arg11 : memref<!tpu.dma_semaphore, #tpu.memory_space<semaphore_mem>>) src(%dma_wait3A_575 : memref<8192x64xf32, #tpu.memory_space<hbm>>) dst(%arg7 : memref<128x64xf32, #tpu.memory_space<vmem>>)
    %add3A_576 = arith.constant 3200 : i32
    %add3A_577 = arith.addi %mul3A_2, %add3A_576 : i32
    %dma_start3A_578 = arith.constant 0 : i32
    %dma_start3A_579 = tpu.memref_slice %arg4[%add3A_577, %dma_start3A_578] : memref<131072x64xf32, #tpu.memory_space<hbm>> -> memref<128x64xf32, #tpu.memory_space<hbm>>
    %dma_start3A_580 = arith.constant 0 : i32
    %dma_start3A_581 = tpu.memref_slice %arg4[%add3A_577, %dma_start3A_580] : memref<131072x64xf32, #tpu.memory_space<hbm>> -> memref<128x64xf32, #tpu.memory_space<hbm>>
    tpu.enqueue_dma source(%arg7 : memref<128x64xf32, #tpu.memory_space<vmem>>) target(%dma_start3A_581 : memref<128x64xf32, #tpu.memory_space<hbm>>) target_semaphore(%arg15 : memref<!tpu.dma_semaphore, #tpu.memory_space<semaphore_mem>>)
    %add3A_582 = arith.constant 3200 : i32
    %add3A_583 = arith.addi %mul3A_2, %add3A_582 : i32
    %dma_wait3A_584 = arith.constant 0 : i32
    %dma_wait3A_585 = tpu.memref_slice %arg4[%add3A_583, %dma_wait3A_584] : memref<131072x64xf32, #tpu.memory_space<hbm>> -> memref<128x64xf32, #tpu.memory_space<hbm>>
    %dma_wait3A_586 = arith.constant 0 : i32
    %dma_wait3A_587 = tpu.memref_slice %arg4[%add3A_583, %dma_wait3A_586] : memref<131072x64xf32, #tpu.memory_space<hbm>> -> memref<128x64xf32, #tpu.memory_space<hbm>>
    tpu.wait_dma2 semaphore(%arg15 : memref<!tpu.dma_semaphore, #tpu.memory_space<semaphore_mem>>) src(%arg7 : memref<128x64xf32, #tpu.memory_space<vmem>>) dst(%dma_wait3A_587 : memref<128x64xf32, #tpu.memory_space<hbm>>)
    %dma_start3A_588 = arith.constant 3712 : i32
    %dma_start3A_589 = tpu.memref_slice %arg5[%dma_start3A_588] : memref<4096xi32, #tpu.memory_space<vmem>> -> memref<128xi32, #tpu.memory_space<vmem>>
    %dma_start3A_590 = arith.constant 0 : i32
    %dma_start3A_591 = arith.constant 0 : i32
    %dma_start3A_592 = tpu.memref_slice %arg3[%dma_start3A_590, %dma_start3A_591] : memref<8192x64xf32, #tpu.memory_space<hbm>> -> memref<8192x64xf32, #tpu.memory_space<hbm>>
    tpu.enqueue_indirect_dma source(%dma_start3A_592 : memref<8192x64xf32, #tpu.memory_space<hbm>>) target(%arg7 : memref<128x64xf32, #tpu.memory_space<vmem>>) offsets(%dma_start3A_589 : memref<128xi32, #tpu.memory_space<vmem>>) semaphore(%arg11 : memref<!tpu.dma_semaphore, #tpu.memory_space<semaphore_mem>>)
    %dma_wait3A_593 = arith.constant 3328 : i32
    %dma_wait3A_594 = tpu.memref_slice %arg5[%dma_wait3A_593] : memref<4096xi32, #tpu.memory_space<vmem>> -> memref<128xi32, #tpu.memory_space<vmem>>
    %dma_wait3A_595 = arith.constant 0 : i32
    %dma_wait3A_596 = arith.constant 0 : i32
    %dma_wait3A_597 = tpu.memref_slice %arg3[%dma_wait3A_595, %dma_wait3A_596] : memref<8192x64xf32, #tpu.memory_space<hbm>> -> memref<8192x64xf32, #tpu.memory_space<hbm>>
    tpu.wait_indirect_dma semaphore(%arg12 : memref<!tpu.dma_semaphore, #tpu.memory_space<semaphore_mem>>) src(%dma_wait3A_597 : memref<8192x64xf32, #tpu.memory_space<hbm>>) dst(%arg8 : memref<128x64xf32, #tpu.memory_space<vmem>>)
    %add3A_598 = arith.constant 3328 : i32
    %add3A_599 = arith.addi %mul3A_2, %add3A_598 : i32
    %dma_start3A_600 = arith.constant 0 : i32
    %dma_start3A_601 = tpu.memref_slice %arg4[%add3A_599, %dma_start3A_600] : memref<131072x64xf32, #tpu.memory_space<hbm>> -> memref<128x64xf32, #tpu.memory_space<hbm>>
    %dma_start3A_602 = arith.constant 0 : i32
    %dma_start3A_603 = tpu.memref_slice %arg4[%add3A_599, %dma_start3A_602] : memref<131072x64xf32, #tpu.memory_space<hbm>> -> memref<128x64xf32, #tpu.memory_space<hbm>>
    tpu.enqueue_dma source(%arg8 : memref<128x64xf32, #tpu.memory_space<vmem>>) target(%dma_start3A_603 : memref<128x64xf32, #tpu.memory_space<hbm>>) target_semaphore(%arg16 : memref<!tpu.dma_semaphore, #tpu.memory_space<semaphore_mem>>)
    %add3A_604 = arith.constant 3328 : i32
    %add3A_605 = arith.addi %mul3A_2, %add3A_604 : i32
    %dma_wait3A_606 = arith.constant 0 : i32
    %dma_wait3A_607 = tpu.memref_slice %arg4[%add3A_605, %dma_wait3A_606] : memref<131072x64xf32, #tpu.memory_space<hbm>> -> memref<128x64xf32, #tpu.memory_space<hbm>>
    %dma_wait3A_608 = arith.constant 0 : i32
    %dma_wait3A_609 = tpu.memref_slice %arg4[%add3A_605, %dma_wait3A_608] : memref<131072x64xf32, #tpu.memory_space<hbm>> -> memref<128x64xf32, #tpu.memory_space<hbm>>
    tpu.wait_dma2 semaphore(%arg16 : memref<!tpu.dma_semaphore, #tpu.memory_space<semaphore_mem>>) src(%arg8 : memref<128x64xf32, #tpu.memory_space<vmem>>) dst(%dma_wait3A_609 : memref<128x64xf32, #tpu.memory_space<hbm>>)
    %dma_start3A_610 = arith.constant 3840 : i32
    %dma_start3A_611 = tpu.memref_slice %arg5[%dma_start3A_610] : memref<4096xi32, #tpu.memory_space<vmem>> -> memref<128xi32, #tpu.memory_space<vmem>>
    %dma_start3A_612 = arith.constant 0 : i32
    %dma_start3A_613 = arith.constant 0 : i32
    %dma_start3A_614 = tpu.memref_slice %arg3[%dma_start3A_612, %dma_start3A_613] : memref<8192x64xf32, #tpu.memory_space<hbm>> -> memref<8192x64xf32, #tpu.memory_space<hbm>>
    tpu.enqueue_indirect_dma source(%dma_start3A_614 : memref<8192x64xf32, #tpu.memory_space<hbm>>) target(%arg8 : memref<128x64xf32, #tpu.memory_space<vmem>>) offsets(%dma_start3A_611 : memref<128xi32, #tpu.memory_space<vmem>>) semaphore(%arg12 : memref<!tpu.dma_semaphore, #tpu.memory_space<semaphore_mem>>)
    %dma_wait3A_615 = arith.constant 3456 : i32
    %dma_wait3A_616 = tpu.memref_slice %arg5[%dma_wait3A_615] : memref<4096xi32, #tpu.memory_space<vmem>> -> memref<128xi32, #tpu.memory_space<vmem>>
    %dma_wait3A_617 = arith.constant 0 : i32
    %dma_wait3A_618 = arith.constant 0 : i32
    %dma_wait3A_619 = tpu.memref_slice %arg3[%dma_wait3A_617, %dma_wait3A_618] : memref<8192x64xf32, #tpu.memory_space<hbm>> -> memref<8192x64xf32, #tpu.memory_space<hbm>>
    tpu.wait_indirect_dma semaphore(%arg13 : memref<!tpu.dma_semaphore, #tpu.memory_space<semaphore_mem>>) src(%dma_wait3A_619 : memref<8192x64xf32, #tpu.memory_space<hbm>>) dst(%arg9 : memref<128x64xf32, #tpu.memory_space<vmem>>)
    %add3A_620 = arith.constant 3456 : i32
    %add3A_621 = arith.addi %mul3A_2, %add3A_620 : i32
    %dma_start3A_622 = arith.constant 0 : i32
    %dma_start3A_623 = tpu.memref_slice %arg4[%add3A_621, %dma_start3A_622] : memref<131072x64xf32, #tpu.memory_space<hbm>> -> memref<128x64xf32, #tpu.memory_space<hbm>>
    %dma_start3A_624 = arith.constant 0 : i32
    %dma_start3A_625 = tpu.memref_slice %arg4[%add3A_621, %dma_start3A_624] : memref<131072x64xf32, #tpu.memory_space<hbm>> -> memref<128x64xf32, #tpu.memory_space<hbm>>
    tpu.enqueue_dma source(%arg9 : memref<128x64xf32, #tpu.memory_space<vmem>>) target(%dma_start3A_625 : memref<128x64xf32, #tpu.memory_space<hbm>>) target_semaphore(%arg17 : memref<!tpu.dma_semaphore, #tpu.memory_space<semaphore_mem>>)
    %add3A_626 = arith.constant 3456 : i32
    %add3A_627 = arith.addi %mul3A_2, %add3A_626 : i32
    %dma_wait3A_628 = arith.constant 0 : i32
    %dma_wait3A_629 = tpu.memref_slice %arg4[%add3A_627, %dma_wait3A_628] : memref<131072x64xf32, #tpu.memory_space<hbm>> -> memref<128x64xf32, #tpu.memory_space<hbm>>
    %dma_wait3A_630 = arith.constant 0 : i32
    %dma_wait3A_631 = tpu.memref_slice %arg4[%add3A_627, %dma_wait3A_630] : memref<131072x64xf32, #tpu.memory_space<hbm>> -> memref<128x64xf32, #tpu.memory_space<hbm>>
    tpu.wait_dma2 semaphore(%arg17 : memref<!tpu.dma_semaphore, #tpu.memory_space<semaphore_mem>>) src(%arg9 : memref<128x64xf32, #tpu.memory_space<vmem>>) dst(%dma_wait3A_631 : memref<128x64xf32, #tpu.memory_space<hbm>>)
    %dma_start3A_632 = arith.constant 3968 : i32
    %dma_start3A_633 = tpu.memref_slice %arg5[%dma_start3A_632] : memref<4096xi32, #tpu.memory_space<vmem>> -> memref<128xi32, #tpu.memory_space<vmem>>
    %dma_start3A_634 = arith.constant 0 : i32
    %dma_start3A_635 = arith.constant 0 : i32
    %dma_start3A_636 = tpu.memref_slice %arg3[%dma_start3A_634, %dma_start3A_635] : memref<8192x64xf32, #tpu.memory_space<hbm>> -> memref<8192x64xf32, #tpu.memory_space<hbm>>
    tpu.enqueue_indirect_dma source(%dma_start3A_636 : memref<8192x64xf32, #tpu.memory_space<hbm>>) target(%arg9 : memref<128x64xf32, #tpu.memory_space<vmem>>) offsets(%dma_start3A_633 : memref<128xi32, #tpu.memory_space<vmem>>) semaphore(%arg13 : memref<!tpu.dma_semaphore, #tpu.memory_space<semaphore_mem>>)
    %dma_wait3A_637 = arith.constant 3584 : i32
    %dma_wait3A_638 = tpu.memref_slice %arg5[%dma_wait3A_637] : memref<4096xi32, #tpu.memory_space<vmem>> -> memref<128xi32, #tpu.memory_space<vmem>>
    %dma_wait3A_639 = arith.constant 0 : i32
    %dma_wait3A_640 = arith.constant 0 : i32
    %dma_wait3A_641 = tpu.memref_slice %arg3[%dma_wait3A_639, %dma_wait3A_640] : memref<8192x64xf32, #tpu.memory_space<hbm>> -> memref<8192x64xf32, #tpu.memory_space<hbm>>
    tpu.wait_indirect_dma semaphore(%arg10 : memref<!tpu.dma_semaphore, #tpu.memory_space<semaphore_mem>>) src(%dma_wait3A_641 : memref<8192x64xf32, #tpu.memory_space<hbm>>) dst(%arg6 : memref<128x64xf32, #tpu.memory_space<vmem>>)
    %add3A_642 = arith.constant 3584 : i32
    %add3A_643 = arith.addi %mul3A_2, %add3A_642 : i32
    %dma_start3A_644 = arith.constant 0 : i32
    %dma_start3A_645 = tpu.memref_slice %arg4[%add3A_643, %dma_start3A_644] : memref<131072x64xf32, #tpu.memory_space<hbm>> -> memref<128x64xf32, #tpu.memory_space<hbm>>
    %dma_start3A_646 = arith.constant 0 : i32
    %dma_start3A_647 = tpu.memref_slice %arg4[%add3A_643, %dma_start3A_646] : memref<131072x64xf32, #tpu.memory_space<hbm>> -> memref<128x64xf32, #tpu.memory_space<hbm>>
    tpu.enqueue_dma source(%arg6 : memref<128x64xf32, #tpu.memory_space<vmem>>) target(%dma_start3A_647 : memref<128x64xf32, #tpu.memory_space<hbm>>) target_semaphore(%arg14 : memref<!tpu.dma_semaphore, #tpu.memory_space<semaphore_mem>>)
    %dma_wait3A_648 = arith.constant 3712 : i32
    %dma_wait3A_649 = tpu.memref_slice %arg5[%dma_wait3A_648] : memref<4096xi32, #tpu.memory_space<vmem>> -> memref<128xi32, #tpu.memory_space<vmem>>
    %dma_wait3A_650 = arith.constant 0 : i32
    %dma_wait3A_651 = arith.constant 0 : i32
    %dma_wait3A_652 = tpu.memref_slice %arg3[%dma_wait3A_650, %dma_wait3A_651] : memref<8192x64xf32, #tpu.memory_space<hbm>> -> memref<8192x64xf32, #tpu.memory_space<hbm>>
    tpu.wait_indirect_dma semaphore(%arg11 : memref<!tpu.dma_semaphore, #tpu.memory_space<semaphore_mem>>) src(%dma_wait3A_652 : memref<8192x64xf32, #tpu.memory_space<hbm>>) dst(%arg7 : memref<128x64xf32, #tpu.memory_space<vmem>>)
    %add3A_653 = arith.constant 3712 : i32
    %add3A_654 = arith.addi %mul3A_2, %add3A_653 : i32
    %dma_start3A_655 = arith.constant 0 : i32
    %dma_start3A_656 = tpu.memref_slice %arg4[%add3A_654, %dma_start3A_655] : memref<131072x64xf32, #tpu.memory_space<hbm>> -> memref<128x64xf32, #tpu.memory_space<hbm>>
    %dma_start3A_657 = arith.constant 0 : i32
    %dma_start3A_658 = tpu.memref_slice %arg4[%add3A_654, %dma_start3A_657] : memref<131072x64xf32, #tpu.memory_space<hbm>> -> memref<128x64xf32, #tpu.memory_space<hbm>>
    tpu.enqueue_dma source(%arg7 : memref<128x64xf32, #tpu.memory_space<vmem>>) target(%dma_start3A_658 : memref<128x64xf32, #tpu.memory_space<hbm>>) target_semaphore(%arg15 : memref<!tpu.dma_semaphore, #tpu.memory_space<semaphore_mem>>)
    %dma_wait3A_659 = arith.constant 3840 : i32
    %dma_wait3A_660 = tpu.memref_slice %arg5[%dma_wait3A_659] : memref<4096xi32, #tpu.memory_space<vmem>> -> memref<128xi32, #tpu.memory_space<vmem>>
    %dma_wait3A_661 = arith.constant 0 : i32
    %dma_wait3A_662 = arith.constant 0 : i32
    %dma_wait3A_663 = tpu.memref_slice %arg3[%dma_wait3A_661, %dma_wait3A_662] : memref<8192x64xf32, #tpu.memory_space<hbm>> -> memref<8192x64xf32, #tpu.memory_space<hbm>>
    tpu.wait_indirect_dma semaphore(%arg12 : memref<!tpu.dma_semaphore, #tpu.memory_space<semaphore_mem>>) src(%dma_wait3A_663 : memref<8192x64xf32, #tpu.memory_space<hbm>>) dst(%arg8 : memref<128x64xf32, #tpu.memory_space<vmem>>)
    %add3A_664 = arith.constant 3840 : i32
    %add3A_665 = arith.addi %mul3A_2, %add3A_664 : i32
    %dma_start3A_666 = arith.constant 0 : i32
    %dma_start3A_667 = tpu.memref_slice %arg4[%add3A_665, %dma_start3A_666] : memref<131072x64xf32, #tpu.memory_space<hbm>> -> memref<128x64xf32, #tpu.memory_space<hbm>>
    %dma_start3A_668 = arith.constant 0 : i32
    %dma_start3A_669 = tpu.memref_slice %arg4[%add3A_665, %dma_start3A_668] : memref<131072x64xf32, #tpu.memory_space<hbm>> -> memref<128x64xf32, #tpu.memory_space<hbm>>
    tpu.enqueue_dma source(%arg8 : memref<128x64xf32, #tpu.memory_space<vmem>>) target(%dma_start3A_669 : memref<128x64xf32, #tpu.memory_space<hbm>>) target_semaphore(%arg16 : memref<!tpu.dma_semaphore, #tpu.memory_space<semaphore_mem>>)
    %dma_wait3A_670 = arith.constant 3968 : i32
    %dma_wait3A_671 = tpu.memref_slice %arg5[%dma_wait3A_670] : memref<4096xi32, #tpu.memory_space<vmem>> -> memref<128xi32, #tpu.memory_space<vmem>>
    %dma_wait3A_672 = arith.constant 0 : i32
    %dma_wait3A_673 = arith.constant 0 : i32
    %dma_wait3A_674 = tpu.memref_slice %arg3[%dma_wait3A_672, %dma_wait3A_673] : memref<8192x64xf32, #tpu.memory_space<hbm>> -> memref<8192x64xf32, #tpu.memory_space<hbm>>
    tpu.wait_indirect_dma semaphore(%arg13 : memref<!tpu.dma_semaphore, #tpu.memory_space<semaphore_mem>>) src(%dma_wait3A_674 : memref<8192x64xf32, #tpu.memory_space<hbm>>) dst(%arg9 : memref<128x64xf32, #tpu.memory_space<vmem>>)
    %add3A_675 = arith.constant 3968 : i32
    %add3A_676 = arith.addi %mul3A_2, %add3A_675 : i32
    %dma_start3A_677 = arith.constant 0 : i32
    %dma_start3A_678 = tpu.memref_slice %arg4[%add3A_676, %dma_start3A_677] : memref<131072x64xf32, #tpu.memory_space<hbm>> -> memref<128x64xf32, #tpu.memory_space<hbm>>
    %dma_start3A_679 = arith.constant 0 : i32
    %dma_start3A_680 = tpu.memref_slice %arg4[%add3A_676, %dma_start3A_679] : memref<131072x64xf32, #tpu.memory_space<hbm>> -> memref<128x64xf32, #tpu.memory_space<hbm>>
    tpu.enqueue_dma source(%arg9 : memref<128x64xf32, #tpu.memory_space<vmem>>) target(%dma_start3A_680 : memref<128x64xf32, #tpu.memory_space<hbm>>) target_semaphore(%arg17 : memref<!tpu.dma_semaphore, #tpu.memory_space<semaphore_mem>>)
    %add3A_681 = arith.constant 3584 : i32
    %add3A_682 = arith.addi %mul3A_2, %add3A_681 : i32
    %dma_wait3A_683 = arith.constant 0 : i32
    %dma_wait3A_684 = tpu.memref_slice %arg4[%add3A_682, %dma_wait3A_683] : memref<131072x64xf32, #tpu.memory_space<hbm>> -> memref<128x64xf32, #tpu.memory_space<hbm>>
    %dma_wait3A_685 = arith.constant 0 : i32
    %dma_wait3A_686 = tpu.memref_slice %arg4[%add3A_682, %dma_wait3A_685] : memref<131072x64xf32, #tpu.memory_space<hbm>> -> memref<128x64xf32, #tpu.memory_space<hbm>>
    tpu.wait_dma2 semaphore(%arg14 : memref<!tpu.dma_semaphore, #tpu.memory_space<semaphore_mem>>) src(%arg6 : memref<128x64xf32, #tpu.memory_space<vmem>>) dst(%dma_wait3A_686 : memref<128x64xf32, #tpu.memory_space<hbm>>)
    %add3A_687 = arith.constant 3712 : i32
    %add3A_688 = arith.addi %mul3A_2, %add3A_687 : i32
    %dma_wait3A_689 = arith.constant 0 : i32
    %dma_wait3A_690 = tpu.memref_slice %arg4[%add3A_688, %dma_wait3A_689] : memref<131072x64xf32, #tpu.memory_space<hbm>> -> memref<128x64xf32, #tpu.memory_space<hbm>>
    %dma_wait3A_691 = arith.constant 0 : i32
    %dma_wait3A_692 = tpu.memref_slice %arg4[%add3A_688, %dma_wait3A_691] : memref<131072x64xf32, #tpu.memory_space<hbm>> -> memref<128x64xf32, #tpu.memory_space<hbm>>
    tpu.wait_dma2 semaphore(%arg15 : memref<!tpu.dma_semaphore, #tpu.memory_space<semaphore_mem>>) src(%arg7 : memref<128x64xf32, #tpu.memory_space<vmem>>) dst(%dma_wait3A_692 : memref<128x64xf32, #tpu.memory_space<hbm>>)
    %add3A_693 = arith.constant 3840 : i32
    %add3A_694 = arith.addi %mul3A_2, %add3A_693 : i32
    %dma_wait3A_695 = arith.constant 0 : i32
    %dma_wait3A_696 = tpu.memref_slice %arg4[%add3A_694, %dma_wait3A_695] : memref<131072x64xf32, #tpu.memory_space<hbm>> -> memref<128x64xf32, #tpu.memory_space<hbm>>
    %dma_wait3A_697 = arith.constant 0 : i32
    %dma_wait3A_698 = tpu.memref_slice %arg4[%add3A_694, %dma_wait3A_697] : memref<131072x64xf32, #tpu.memory_space<hbm>> -> memref<128x64xf32, #tpu.memory_space<hbm>>
    tpu.wait_dma2 semaphore(%arg16 : memref<!tpu.dma_semaphore, #tpu.memory_space<semaphore_mem>>) src(%arg8 : memref<128x64xf32, #tpu.memory_space<vmem>>) dst(%dma_wait3A_698 : memref<128x64xf32, #tpu.memory_space<hbm>>)
    %add3A_699 = arith.constant 3968 : i32
    %add3A_700 = arith.addi %mul3A_2, %add3A_699 : i32
    %dma_wait3A_701 = arith.constant 0 : i32
    %dma_wait3A_702 = tpu.memref_slice %arg4[%add3A_700, %dma_wait3A_701] : memref<131072x64xf32, #tpu.memory_space<hbm>> -> memref<128x64xf32, #tpu.memory_space<hbm>>
    %dma_wait3A_703 = arith.constant 0 : i32
    %dma_wait3A_704 = tpu.memref_slice %arg4[%add3A_700, %dma_wait3A_703] : memref<131072x64xf32, #tpu.memory_space<hbm>> -> memref<128x64xf32, #tpu.memory_space<hbm>>
    tpu.wait_dma2 semaphore(%arg17 : memref<!tpu.dma_semaphore, #tpu.memory_space<semaphore_mem>>) src(%arg9 : memref<128x64xf32, #tpu.memory_space<vmem>>) dst(%dma_wait3A_704 : memref<128x64xf32, #tpu.memory_space<hbm>>)
    return
  }
}

</mosaic_0001>

<sc_bundles>
// kernel: kernel.3.cloned.1.call-start
scs
__scs_entry_jumppad:
0x0: {  	(pc) =	sbr.rel $0x88, $3  }
0x1: {  	(tag) =	ssettag $0x0;
	lr =	simm.s32 $0x1  }
0x2: {  	[smem:$0x3F9F] =	sst lr;
	_ =	strace $0xD0000000  }
0x3: {  	_ = 	snop  }
0x4: {  	_ = 	snop  }
0x5: {  	_ = 	snop  }
0x6: {  	_ = 	snop  }
0x7: {  	_ = 	snop  }
__scs_overlays_trampoline_lowered:
0x8: {  	[smem:$0x3FAE] =	sst s0  }
0x9: {  	[smem:$0x3FAF] =	sst s1  }
0xa: {  	[smem:$0x3FB0] =	sst s2  }
0xb: {  	[smem:$0x3FB1] =	sst s3  }
0xc: {  	[smem:$0x3FB2] =	sst s4  }
0xd: {  	[smem:$0x3FB3] =	sst s5  }
0xe: {  	[smem:$0x3FB4] =	sst s6  }
0xf: {  	[smem:$0x3FB5] =	sst s7  }
0x10: {  	[smem:$0x3FB6] =	sst s8  }
0x11: {  	[smem:$0x3FB7] =	sst s9;
	s0 =	simm.s32 @!p0 $0x0  }
0x12: {  	s1 =	sld [smem:$0x3F9D];
	s0 =	simm.s32 @p0 $0x1  }
0x13: {  	[smem:$0x3FB8] =	sst s0;
	s0 =	simm.s32 @!p1 $0x0  }
0x14: {  	s2 =	sld [smem:$0x3F9C];
	s0 =	simm.s32 @p1 $0x1  }
0x15: {  	[smem:$0x3FB9] =	sst s0;
	s0 =	simm.s32 @!p2 $0x0  }
0x16: {  	s3 =	sld [smem:$0x3FDB];
	s0 =	simm.s32 @p2 $0x1  }
0x17: {  	s4 =	simm.s32 $0x1BF5;
	[smem:$0x3FBB] =	sst s0  }
0x18: {  	s0 =	sld [smem:$0x3F9E];
	_ =	swait.ge [sflag:s4], $0x0  }
0x19: {  	s7 =	sld [smem:$0x3F9F]  }
0x1a: {  	s8 =	sadd.s32 $0xFFFFE003, lr  }
0x1b: {  	s9 =	sadd.s32 $0xFFFFFEF7, lr;
	s5 =	simm.s32 $0xFFFFFFFF;
	p2 =	slt.u32 s8, $0xFFFFF086  }
0x1c: {  	p1 =	slt.u32 s9, $0xF7A;
	s5 =	simm.s32 @!p2 $0x0  }
0x1d: {  	s5 =	simm.s32 @p1 $0x1;
	p0 =	seq.s32 s7, s2  }
0x1e: {  	s7 =	smul.u32 @!p0 $0xF7A, s2;
	p2 =	seq.s32 @!p0 s5, $0x0  }
0x1f: {  	s9 =	smul.u32 $0xF7A, s1;
	s8 =	simm.s32 @!p0 $0x1BF5;
	p2 =	por !p2, p0  }
0x20: {  	[sflag:s8] =	ssyncset.s32 @!p0 $0xFFFFF086;
	s6 =	sadd.s32 @!p0 s3, s7;
	s7 =	simm.s32 @!p0 $0x108  }
0x21: {  	s3 =	sadd.s32 s3, s9;
	s6 =	sadd.s32 @!p0 $0x88, s6;
	s7 =	simm.s32 @p2 $0x1082  }
0x22: {  	[simem:s7], [sflag:s8] =	dma.local @!p0 [hbm:s6], $0xF7A  }
0x23: {  	s9 =	sor.u32 $0xD0000000, s2;
	s6 =	simm.s32 $0x108;
	_ =	swait.ge @!p0 [sflag:s8], $0x0  }
0x24: {  	s3 =	sadd.s32 $0x88, s3;
	s6 =	simm.s32 @!p1 $0x1082;
	[sflag:s4] =	ssyncset.s32 $0xFFFFF086  }
0x25: {  	[simem:s6], [sflag:s4] =	dma.local [hbm:s3], $0xF7A  }
0x26: {  	[smem:$0x3F9F] =	sst s1;
	(tag) =	ssettag s2;
	_ =	strace s9  }
0x27: {  	s1 =	sld [smem:$0x3FAF]  }
0x28: {  	s2 =	sld [smem:$0x3FB0]  }
0x29: {  	s4 =	sld [smem:$0x3FB2]  }
0x2a: {  	p0 =	seq.s32 s5, $0x0;
	s5 =	sld [smem:$0x3FB3]  }
0x2b: {  	s6 =	sld [smem:$0x3FB4]  }
0x2c: {  	s7 =	sld [smem:$0x3FB5]  }
0x2d: {  	s3 =	simm.s32 $0x108;
	s8 =	sld [smem:$0x3FB6]  }
0x2e: {  	s3 =	simm.s32 @!p0 $0x1082;
	s9 =	sld [smem:$0x3FB7]  }
0x2f: {  	lr =	sadd.s32 s0, s3;
	s0 =	sld [smem:$0x3FAE]  }
0x30: {  	s3 =	sld [smem:$0x3FB1]  }
0x31: {  	[smem:$0x3FBA] =	sst s10  }
0x32: {  	s10 =	sld [smem:$0x3FB8];
	_ =	sdelay $0x3  }
0x33: {  	p0 =	seq.s32 s10, $0x1;
	s10 =	sld [smem:$0x3FBA];
	_ =	sdelay $0x3  }
0x34: {  	[smem:$0x3FBA] =	sst s10  }
0x35: {  	s10 =	sld [smem:$0x3FB9];
	_ =	sdelay $0x3  }
0x36: {  	p1 =	seq.s32 s10, $0x1;
	s10 =	sld [smem:$0x3FBA];
	_ =	sdelay $0x3  }
0x37: {  	[smem:$0x3FBA] =	sst s10  }
0x38: {  	s10 =	sld [smem:$0x3FBB]  }
0x39: {  	_ = 	snop;
	(pc) =	sbr.ind lr, $3  }
0x3a: {  	_ = 	snop  }
0x3b: {  	_ = 	snop  }
0x3c: {  	p2 =	seq.s32 s10, $0x1;
	s10 =	sld [smem:$0x3FBA]  }
0x3d: {  	_ =	shalt  }
0x3e: {  	_ =	shalt  }
0x3f: {  	_ =	shalt  }
0x40: {  	_ =	shalt  }
0x41: {  	_ =	shalt  }
0x42: {  	_ =	shalt  }
0x43: {  	_ =	shalt  }
0x44: {  	_ =	shalt  }
0x45: {  	_ =	shalt  }
0x46: {  	_ =	shalt  }
0x47: {  	_ =	shalt  }
0x48: {  	_ =	shalt  }
0x49: {  	_ =	shalt  }
0x4a: {  	_ =	shalt  }
0x4b: {  	_ =	shalt  }
0x4c: {  	_ =	shalt  }
0x4d: {  	_ =	shalt  }
0x4e: {  	_ =	shalt  }
0x4f: {  	_ =	shalt  }
0x50: {  	_ =	shalt  }
0x51: {  	_ =	shalt  }
0x52: {  	_ =	shalt  }
0x53: {  	_ =	shalt  }
0x54: {  	_ =	shalt  }
0x55: {  	_ =	shalt  }
0x56: {  	_ =	shalt  }
0x57: {  	_ =	shalt  }
0x58: {  	_ =	shalt  }
0x59: {  	_ =	shalt  }
0x5a: {  	_ =	shalt  }
0x5b: {  	_ =	shalt  }
0x5c: {  	_ =	shalt  }
0x5d: {  	_ =	shalt  }
0x5e: {  	_ =	shalt  }
0x5f: {  	_ =	shalt  }
0x60: {  	_ =	shalt  }
0x61: {  	_ =	shalt  }
0x62: {  	_ =	shalt  }
0x63: {  	_ =	shalt  }
0x64: {  	_ =	shalt  }
0x65: {  	_ =	shalt  }
0x66: {  	_ =	shalt  }
0x67: {  	_ =	shalt  }
0x68: {  	_ =	shalt  }
0x69: {  	_ =	shalt  }
0x6a: {  	_ =	shalt  }
0x6b: {  	_ =	shalt  }
0x6c: {  	_ =	shalt  }
0x6d: {  	_ =	shalt  }
0x6e: {  	_ =	shalt  }
0x6f: {  	_ =	shalt  }
0x70: {  	_ =	shalt  }
0x71: {  	_ =	shalt  }
0x72: {  	_ =	shalt  }
0x73: {  	_ =	shalt  }
0x74: {  	_ =	shalt  }
0x75: {  	_ =	shalt  }
0x76: {  	_ =	shalt  }
0x77: {  	_ =	shalt  }
0x78: {  	_ =	shalt  }
0x79: {  	_ =	shalt  }
0x7a: {  	_ =	shalt  }
0x7b: {  	_ =	shalt  }
0x7c: {  	_ =	shalt  }
0x7d: {  	_ =	shalt  }
0x7e: {  	_ =	shalt  }
0x7f: {  	_ =	shalt  }
0x80: {  	_ =	shalt  }
0x81: {  	_ =	shalt  }
0x82: {  	_ =	shalt  }
0x83: {  	_ =	shalt  }
0x84: {  	_ =	shalt  }
0x85: {  	_ =	shalt  }
0x86: {  	_ =	shalt  }
0x87: {  	_ =	shalt  }
.Lfunc_end0:
.L_simem_size_0:
called_computation.1_lowered:
.L_overlay_start_0:
0x88: {  	s2 =	sld [smem:$0x3FD9]  }
0x89: {  	s3 =	sld [smem:$0x3FFE];
	_ =	sdelay $0x1  }
0x8a: {  	s1 =	srdreg.scid  }
0x8b: {  	s0 =	sand.u32 $0x1, s1  }
0x8c: {  	s17 =	sshll.u32 s0, $0xA;
	s2 =	sadd.s32 s3, s2  }
0x8d: {  	s2 =	sadd.s32 s2, s17  }
0x8e: {  	[smem:$0x3FC6] =	sst s2  }
0x8f: {  	_ = 	snop  }
0x90: {  	s2 =	sld [smem:$0x3FD0];
	(tm) =	ssettm $0x1  }
0x91: {  	s18 =	sld [smem:$0x3FFB];
	_ =	sdelay $0x3  }
0x92: {  	_ =	strace s18  }
0x93: {  	s3 =	sld [smem:$0x3FFC];
	_ =	sdelay $0x3  }
0x94: {  	_ =	strace s3  }
0x95: {  	s3 =	sld [smem:$0x3FFD];
	_ =	sdelay $0x3  }
0x96: {  	_ =	strace s3  }
0x97: {  	_ =	strace $0x8FFFFFFF  }
0x98: {  	s19 =	sld [smem:$0x3FDB];
	_ =	sdelay $0x1  }
0x99: {  	s4 =	simm.s32 $_scs_section_size  }
0x9a: {  	s5 =	simm.s32 $_size__tile_overlayer_lowered;
	s6 =	simm.s32 $_tile_overlayer_lowered  }
0x9b: {  	s22 =	simm.s32 $0x1BFF;
	s21 =	sshll.u32 s6, $0x1;
	s3 =	sadd.s32 s4, s19  }
0x9c: {  	s7 =	simm.s32 $0x0;
	s20 =	sshll.u32 s5, $0x1;
	s5 =	sadd.s32 s21, s3  }
0x9d: {  	[timem:s7], [sflag:s22] =	dma.local [hbm:s5], s20  }
0x9e: {  	_ =	swait.ge [sflag:s22], s20  }
0x9f: {  	s4 =	ssub.s32 $0x0, s20;
	[sflag:s22] =	ssyncset.done $0x0  }
0xa0: {  	[sflag:s22] =	ssyncadd.s32 s4;
	_ =	sdelay $0x1  }
0xa1: {  	s23 =	simm.s32 $0x1B8B  }
0xa2: {  	_ =	swait.ge [sflag:s23], $0x1  }
0xa3: {  	[sflag:s23] =	ssyncset.done $0x0  }
0xa4: {  	s25 =	simm.s32 $0x1B8E;
	s24 =	sld [smem:$0x3FFE];
	[sflag:s23] =	ssyncadd.s32 $0xFFFFFFFF  }
0xa5: {  	s26 =	simm.s32 $execute0_lowered;
	[smem:$0x3FD2] =	sst s25  }
0xa6: {  	s5 =	sshll.u32 s26, $0x1;
	_ =	strace $0x80000046;
	[dreg:$0x1] =	wrdreg $0xFFFFFFFF  }
0xa7: {  	s28 =	simm.s32 $_size_execute0_lowered;
	s3 =	sadd.s32 s3, s5;
	[dreg:$0x0] =	wrdreg $0x0  }
0xa8: {  	s5 =	sshll.u32 s28, $0x1;
	[dreg:$0x2] =	wrdreg s3  }
0xa9: {  	[dreg:$0x3] =	wrdreg s5  }
0xaa: {  	[dreg:$0x4] =	wrdreg $0xC0  }
0xab: {  	_ =	task [dreg:s7], $0x5FFFF  }
0xac: {  	[dreg:$0x1] =	wrdreg $0xFFFFFFFF  }
0xad: {  	[dreg:$0x0] =	wrdreg $0x60  }
0xae: {  	[dreg:$0x2] =	wrdreg s24  }
0xaf: {  	[dreg:$0x3] =	wrdreg s2  }
0xb0: {  	[dreg:$0x4] =	wrdreg $0x9  }
0xb1: {  	_ =	task.clear_ibuf [dreg:s7], $0x5FFFF;
	_ =	strace $0x90000046  }
0xb2: {  	s29 =	simm.s32 $0x9;
	_ =	strace $0x80000048  }
0xb3: {  	_ =	swait.ge [sflag:s29], $0x1  }
0xb4: {  	[sflag:s29] =	ssyncadd.s32 $0xFFFFFFFF  }
0xb5: {  	_ =	strace $0x90000048  }
0xb6: {  	_ =	sfence  }
0xb7: {  	s30 =	sld [smem:$0x0];
	_ =	sdelay $0x2  }
0xb8: {  	s31 =	sshll.u32 s1, $0xD;
	s1 =	sshrl.u32 s1, $0x2  }
0xb9: {  	s3 =	sand.u32 $0x4000, s31;
	s1 =	sadd.s32 s1, s30  }
0xba: {  	s0 =	sor.u32 s3, s0;
	s1 =	sshll.u32 s1, $0x11  }
0xbb: {  	s0 =	sor.u32 s1, s0  }
0xbc: {  	s0 =	sadd.s32 $0x8F2B, s0  }
0xbd: {  	[sflag:s0] =	ssyncadd.remote.s32 $0x1  }
0xbe: {  	_ =	sfence.sel $0xFFFF  }
0xbf: {  	[dreg:$0x0] =	wrdreg $0xFFFFFFFF;
	(pc) =	sbr.abs _section_cstart, $3  }
0xc0: {  	[dreg:$0x1] =	wrdreg $0xFFFFFFFF  }
0xc1: {  	_ =	task.clear_ibuf [dreg:s7], $0x2FFFF;
	_ =	strace $0x9FFFFFFF  }
0xc2: {  	(tm) =	ssettm $0x7FFFFFFF  }
0xc3: {  	_ =	shalt  }
tec
execute0_lowered:
.L_overlay_start_1:
0x0: {  	(tag) =	ssettag $0x1  }
0x1: {  	s0 =	srdreg.scid  }
0x2: {  	s17 =	stileid.u32;
	s1 =	sand.u32 $0x1, s0  }
0x3: {  	s21 =	sshll.u32 s17, $0xD;
	s2 =	sshll.u32 s1, $0xC  }
0x4: {  	s3 =	rddreg [dreg:$0x0];
	s0 =	sor.u32 s2, s21  }
0x5: {  	s4 =	rddreg [dreg:$0x1];
	s5 =	sshrl.u32 s0, $0x3  }
0x6: {  	s2 =	simm.s32 $0x0;
	s0 =	sshll.u32 s0, $0x3;
	s5 =	sadd.s32 s5, s3  }
0x7: {  	[smem:$0x7FF] =	sst s2;
	s30 =	sadd.s32 s4, s0;
	s5 =	sadd.s32 $0x800, s5  }
0x8: {  	_ =	strace $0x80000047;
	s0 =	sadd.s32 $0x400, s30;
	[dreg:$0x3] =	wrdreg s5  }
0x9: {  	s22 =	sadd.s32 $0x800, s30;
	[dreg:$0x4] =	wrdreg s0  }
0xa: {  	s23 =	sadd.s32 $0xC00, s30;
	[dreg:$0x5] =	wrdreg s22  }
0xb: {  	s24 =	sadd.s32 $0x1000, s30;
	[dreg:$0x6] =	wrdreg s23  }
0xc: {  	s25 =	sadd.s32 $0x1400, s30;
	[dreg:$0x7] =	wrdreg s24  }
0xd: {  	s26 =	sadd.s32 $0x1800, s30;
	[dreg:$0x8] =	wrdreg s25  }
0xe: {  	s4 =	sadd.s32 $0x1C00, s30;
	[dreg:$0x9] =	wrdreg s26  }
0xf: {  	s6 =	sadd.s32 $0x2400, s30;
	[dreg:$0xa] =	wrdreg s4  }
0x10: {  	s7 =	sadd.s32 $0x2800, s30;
	[dreg:$0xc] =	wrdreg s6  }
0x11: {  	s8 =	sadd.s32 $0x2C00, s30;
	[dreg:$0xd] =	wrdreg s7  }
0x12: {  	s9 =	sadd.s32 $0x3000, s30;
	[dreg:$0xe] =	wrdreg s8  }
0x13: {  	s10 =	sadd.s32 $0x3400, s30;
	[dreg:$0xf] =	wrdreg s9  }
0x14: {  	s11 =	sadd.s32 $0x3800, s30;
	[dreg:$0x10] =	wrdreg s10  }
0x15: {  	s12 =	sadd.s32 $0x3C00, s30;
	[dreg:$0x11] =	wrdreg s11  }
0x16: {  	s13 =	sadd.s32 $0x4000, s30;
	[dreg:$0x12] =	wrdreg s12  }
0x17: {  	s14 =	sadd.s32 $0x4400, s30;
	[dreg:$0x13] =	wrdreg s13  }
0x18: {  	s15 =	sadd.s32 $0x4800, s30;
	[dreg:$0x14] =	wrdreg s14  }
0x19: {  	s16 =	sadd.s32 $0x4C00, s30;
	[dreg:$0x15] =	wrdreg s15  }
0x1a: {  	s18 =	sadd.s32 $0x5000, s30;
	[dreg:$0x16] =	wrdreg s16  }
0x1b: {  	s19 =	sadd.s32 $0x5400, s30;
	[dreg:$0x17] =	wrdreg s18  }
0x1c: {  	s20 =	sadd.s32 $0x5800, s30;
	[dreg:$0x18] =	wrdreg s19  }
0x1d: {  	s21 =	sadd.s32 $0x5C00, s30;
	[dreg:$0x19] =	wrdreg s20  }
0x1e: {  	s5 =	sadd.s32 $0x2000, s30;
	[dreg:$0x1a] =	wrdreg s21  }
0x1f: {  	s22 =	sadd.s32 $0x6000, s30;
	[dreg:$0xb] =	wrdreg s5  }
0x20: {  	s23 =	sadd.s32 $0x6400, s30;
	[dreg:$0x1b] =	wrdreg s22  }
0x21: {  	s24 =	sadd.s32 $0x6800, s30;
	[dreg:$0x1c] =	wrdreg s23  }
0x22: {  	s25 =	sadd.s32 $0x6C00, s30;
	[dreg:$0x1d] =	wrdreg s24  }
0x23: {  	s26 =	sadd.s32 $0x7000, s30;
	[dreg:$0x1e] =	wrdreg s25  }
0x24: {  	s31 =	simm.s32 $0x9;
	s4 =	sadd.s32 $0x7400, s30;
	[dreg:$0x1f] =	wrdreg s26  }
0x25: {  	s29 =	simm.s32 $0xA80;
	s6 =	sadd.s32 $0x7C00, s30;
	[smem:$0x7E9] =	sst s4  }
0x26: {  	s28 =	simm.s32 $0xB00;
	s7 =	simm.s32 $0x100;
	[smem:$0x7EB] =	sst s6  }
0x27: {  	p0 =	por $0x0, $0x0;
	s8 =	simm.s32 $0x180;
	[smem:$0x7EC] =	sst s7  }
0x28: {  	s1 =	ssub.s32 $0x2, s1;
	s10 =	simm.s32 $0x200;
	[smem:$0x7ED] =	sst s8  }
0x29: {  	s3 =	sadd.s32 $0x4800, s3;
	s11 =	simm.s32 $0x280;
	[smem:$0x7EE] =	sst s10  }
0x2a: {  	s9 =	sshrl.u32 s1, $0x1;
	s12 =	simm.s32 $0x300;
	[smem:$0x7EF] =	sst s11  }
0x2b: {  	s13 =	simm.s32 $0x380;
	s14 =	simm.s32 $0x400;
	[smem:$0x7F0] =	sst s12  }
0x2c: {  	s15 =	simm.s32 $0x480;
	s16 =	simm.s32 $0x500;
	[smem:$0x7F1] =	sst s13  }
0x2d: {  	s18 =	simm.s32 $0x580;
	s19 =	simm.s32 $0x600;
	[smem:$0x7F2] =	sst s14  }
0x2e: {  	s20 =	simm.s32 $0x680;
	s21 =	simm.s32 $0x700;
	[smem:$0x7F3] =	sst s15  }
0x2f: {  	s5 =	sadd.s32 $0x7800, s30;
	s1 =	ssub.s32 s1, s9;
	[smem:$0x7F4] =	sst s16  }
0x30: {  	s10 =	simm.s32 $0x80;
	s8 =	simm.s32 $0x1000;
	[smem:$0x7F5] =	sst s18  }
0x31: {  	s7 =	simm.s32 $0x3000;
	s4 =	simm.s32 $0x7000;
	[smem:$0x7F6] =	sst s19  }
0x32: {  	s13 =	simm.s32 $0x1;
	s6 =	simm.s32 $0x5;
	[smem:$0x7F7] =	sst s20  }
0x33: {  	s14 =	simm.s32 $0x2;
	[smem:$0x7F8] =	sst s21;
	s22 =	simm.s32 $0x780  }
0x34: {  	s9 =	simm.s32 $0x6;
	s23 =	simm.s32 $0x800;
	s15 =	simm.s32 $0x3  }
0x35: {  	s24 =	simm.s32 $0x880;
	s11 =	simm.s32 $0x7;
	s0 =	rddreg [dreg:$0x3]  }
0x36: {  	s25 =	simm.s32 $0x900;
	s16 =	simm.s32 $0x4;
	[smem:$0x7EA] =	sst s5  }
0x37: {  	s26 =	simm.s32 $0x980;
	s1 =	smax.u32 s1, $0x1;
	[smem:$0x7F9] =	sst s22  }
0x38: {  	s12 =	simm.s32 $0x8;
	[smem:$0x7FA] =	sst s23;
	p1 =	sne.s32 s1, $0x1  }
.Ltmp0:
0x39: {  	s21 =	simm.s32 $0xE00;
	[smem:$0x7FB] =	sst s24;
	(pc) =	sbr.rel @!p1 .LBB2_1-.Ltmp0, $4  }
0x3a: {  	s20 =	simm.s32 $0xE80;
	s19 =	simm.s32 $0xF00;
	[smem:$0x7FC] =	sst s25  }
0x3b: {  	s18 =	simm.s32 $0xF80;
	s5 =	simm.s32 $0x5000;
	[smem:$0x7FD] =	sst s26  }
0x3c: {  	s26 =	simm.s32 $0xB80;
	s25 =	simm.s32 $0xC00;
	s24 =	simm.s32 $0xC80  }
0x3d: {  	s23 =	simm.s32 $0xD00;
	s22 =	simm.s32 $0xD80;
	s1 =	sadd.s32 $0xFFFFFFFF, s1  }
0x3e: {  	[tilespmem:s2], [sflag:$0x9] =	stream.linear.gather [hbm4b:s0+s2], $0x1000, $0x38;
	[tilespmem:$0x9000] =	vst v63  }
0x3f: {  	_ =	swait.ge [sflag:s31], $0x1000  }
0x40: {  	[sflag:s31] =	ssyncset.done $0x0  }
0x41: {  	[sflag:s31] =	ssyncadd.s32 $0xFFFFF000  }
0x42: {  	[tilespmem:s8], [sflag:$0x1] =	stream.indirect.gather [hbm4b:s3+s10], $0x40, s2, s10, $0xb8;
	[tilespmem:$0x9000] =	vst v63  }
0x43: {  	s0 =	sld [smem:$0x7EC]  }
0x44: {  	[tilespmem:s7], [sflag:$0x2] =	stream.indirect.gather [hbm4b:s3+s10], $0x40, s10, s10, $0xb8;
	[tilespmem:$0x9000] =	vst v63  }
0x45: {  	s17 =	smov.u32 s1;
	s1 =	sld [smem:$0x7ED]  }
0x46: {  	[tilespmem:s5], [sflag:$0x3] =	stream.indirect.gather [hbm4b:s3+s10], $0x40, s0, s10, $0xb8;
	[tilespmem:$0x9000] =	vst v63  }
0x47: {  	_ = 	snop  }
0x48: {  	[tilespmem:s4], [sflag:$0x4] =	stream.indirect.gather [hbm4b:s3+s10], $0x40, s1, s10, $0xb8;
	[tilespmem:$0x9000] =	vst v63  }
0x49: {  	_ =	swait.ge [sflag:s13], $0x2000  }
0x4a: {  	[sflag:s13] =	ssyncset.done $0x0  }
0x4b: {  	[sflag:s13] =	ssyncadd.s32 $0xFFFFE000  }
0x4c: {  	[hbm4b:s30+s2] =	stream.linear.scatter [tilespmem:s8], [sflag:$0x5], $0x2000, $0x38;
	[tilespmem:$0x9000] =	vst v63  }
0x4d: {  	_ =	swait.ge [sflag:s6], $0x2000  }
0x4e: {  	s1 =	sld [smem:$0x7EE]  }
0x4f: {  	[sflag:s6] =	ssyncset.done $0x0  }
0x50: {  	[sflag:s6] =	ssyncadd.s32 $0xFFFFE000  }
0x51: {  	[tilespmem:s8], [sflag:$0x1] =	stream.indirect.gather [hbm4b:s3+s10], $0x40, s1, s10, $0xb8;
	[tilespmem:$0x9000] =	vst v63  }
0x52: {  	_ =	swait.ge [sflag:s14], $0x2000  }
0x53: {  	[sflag:s14] =	ssyncset.done $0x0  }
0x54: {  	s1 =	rddreg [dreg:$0x4];
	[sflag:s14] =	ssyncadd.s32 $0xFFFFE000  }
0x55: {  	[hbm4b:s1+s2] =	stream.linear.scatter [tilespmem:s7], [sflag:$0x6], $0x2000, $0x38;
	[tilespmem:$0x9000] =	vst v63  }
0x56: {  	_ =	swait.ge [sflag:s9], $0x2000  }
0x57: {  	s1 =	sld [smem:$0x7EF]  }
0x58: {  	[sflag:s9] =	ssyncset.done $0x0  }
0x59: {  	[sflag:s9] =	ssyncadd.s32 $0xFFFFE000  }
0x5a: {  	[tilespmem:s7], [sflag:$0x2] =	stream.indirect.gather [hbm4b:s3+s10], $0x40, s1, s10, $0xb8;
	[tilespmem:$0x9000] =	vst v63  }
0x5b: {  	_ =	swait.ge [sflag:s15], $0x2000  }
0x5c: {  	[sflag:s15] =	ssyncset.done $0x0  }
0x5d: {  	s1 =	rddreg [dreg:$0x5];
	[sflag:s15] =	ssyncadd.s32 $0xFFFFE000  }
0x5e: {  	[hbm4b:s1+s2] =	stream.linear.scatter [tilespmem:s5], [sflag:$0x7], $0x2000, $0x38;
	[tilespmem:$0x9000] =	vst v63  }
0x5f: {  	_ =	swait.ge [sflag:s11], $0x2000  }
0x60: {  	s1 =	sld [smem:$0x7F0]  }
0x61: {  	[sflag:s11] =	ssyncset.done $0x0  }
0x62: {  	[sflag:s11] =	ssyncadd.s32 $0xFFFFE000  }
0x63: {  	[tilespmem:s5], [sflag:$0x3] =	stream.indirect.gather [hbm4b:s3+s10], $0x40, s1, s10, $0xb8;
	[tilespmem:$0x9000] =	vst v63  }
0x64: {  	_ =	swait.ge [sflag:s16], $0x2000  }
0x65: {  	[sflag:s16] =	ssyncset.done $0x0  }
0x66: {  	s1 =	rddreg [dreg:$0x6];
	[sflag:s16] =	ssyncadd.s32 $0xFFFFE000  }
0x67: {  	[hbm4b:s1+s2] =	stream.linear.scatter [tilespmem:s4], [sflag:$0x8], $0x2000, $0x38;
	[tilespmem:$0x9000] =	vst v63  }
0x68: {  	_ =	swait.ge [sflag:s12], $0x2000  }
0x69: {  	s1 =	sld [smem:$0x7F1]  }
0x6a: {  	[sflag:s12] =	ssyncset.done $0x0  }
0x6b: {  	[sflag:s12] =	ssyncadd.s32 $0xFFFFE000  }
0x6c: {  	[tilespmem:s4], [sflag:$0x4] =	stream.indirect.gather [hbm4b:s3+s10], $0x40, s1, s10, $0xb8;
	[tilespmem:$0x9000] =	vst v63  }
0x6d: {  	_ =	swait.ge [sflag:s13], $0x2000  }
0x6e: {  	[sflag:s13] =	ssyncset.done $0x0  }
0x6f: {  	s1 =	rddreg [dreg:$0x7];
	[sflag:s13] =	ssyncadd.s32 $0xFFFFE000  }
0x70: {  	[hbm4b:s1+s2] =	stream.linear.scatter [tilespmem:s8], [sflag:$0x5], $0x2000, $0x38;
	[tilespmem:$0x9000] =	vst v63  }
0x71: {  	_ =	swait.ge [sflag:s6], $0x2000  }
0x72: {  	s1 =	sld [smem:$0x7F2]  }
0x73: {  	[sflag:s6] =	ssyncset.done $0x0  }
0x74: {  	[sflag:s6] =	ssyncadd.s32 $0xFFFFE000  }
0x75: {  	[tilespmem:s8], [sflag:$0x1] =	stream.indirect.gather [hbm4b:s3+s10], $0x40, s1, s10, $0xb8;
	[tilespmem:$0x9000] =	vst v63  }
0x76: {  	_ =	swait.ge [sflag:s14], $0x2000  }
0x77: {  	[sflag:s14] =	ssyncset.done $0x0  }
0x78: {  	s1 =	rddreg [dreg:$0x8];
	[sflag:s14] =	ssyncadd.s32 $0xFFFFE000  }
0x79: {  	[hbm4b:s1+s2] =	stream.linear.scatter [tilespmem:s7], [sflag:$0x6], $0x2000, $0x38;
	[tilespmem:$0x9000] =	vst v63  }
0x7a: {  	_ =	swait.ge [sflag:s9], $0x2000  }
0x7b: {  	s1 =	sld [smem:$0x7F3]  }
0x7c: {  	[sflag:s9] =	ssyncset.done $0x0  }
0x7d: {  	[sflag:s9] =	ssyncadd.s32 $0xFFFFE000  }
0x7e: {  	[tilespmem:s7], [sflag:$0x2] =	stream.indirect.gather [hbm4b:s3+s10], $0x40, s1, s10, $0xb8;
	[tilespmem:$0x9000] =	vst v63  }
0x7f: {  	_ =	swait.ge [sflag:s15], $0x2000  }
0x80: {  	[sflag:s15] =	ssyncset.done $0x0  }
0x81: {  	s1 =	rddreg [dreg:$0x9];
	[sflag:s15] =	ssyncadd.s32 $0xFFFFE000  }
0x82: {  	[hbm4b:s1+s2] =	stream.linear.scatter [tilespmem:s5], [sflag:$0x7], $0x2000, $0x38;
	[tilespmem:$0x9000] =	vst v63  }
0x83: {  	_ =	swait.ge [sflag:s11], $0x2000  }
0x84: {  	s1 =	sld [smem:$0x7F4]  }
0x85: {  	[sflag:s11] =	ssyncset.done $0x0  }
0x86: {  	[sflag:s11] =	ssyncadd.s32 $0xFFFFE000  }
0x87: {  	[tilespmem:s5], [sflag:$0x3] =	stream.indirect.gather [hbm4b:s3+s10], $0x40, s1, s10, $0xb8;
	[tilespmem:$0x9000] =	vst v63  }
0x88: {  	_ =	swait.ge [sflag:s16], $0x2000  }
0x89: {  	[sflag:s16] =	ssyncset.done $0x0  }
0x8a: {  	s1 =	rddreg [dreg:$0xa];
	[sflag:s16] =	ssyncadd.s32 $0xFFFFE000  }
0x8b: {  	[hbm4b:s1+s2] =	stream.linear.scatter [tilespmem:s4], [sflag:$0x8], $0x2000, $0x38;
	[tilespmem:$0x9000] =	vst v63  }
0x8c: {  	_ =	swait.ge [sflag:s12], $0x2000  }
0x8d: {  	s1 =	sld [smem:$0x7F5]  }
0x8e: {  	[sflag:s12] =	ssyncset.done $0x0  }
0x8f: {  	[sflag:s12] =	ssyncadd.s32 $0xFFFFE000  }
0x90: {  	[tilespmem:s4], [sflag:$0x4] =	stream.indirect.gather [hbm4b:s3+s10], $0x40, s1, s10, $0xb8;
	[tilespmem:$0x9000] =	vst v63  }
0x91: {  	_ =	swait.ge [sflag:s13], $0x2000  }
0x92: {  	[sflag:s13] =	ssyncset.done $0x0  }
0x93: {  	s1 =	rddreg [dreg:$0xb];
	[sflag:s13] =	ssyncadd.s32 $0xFFFFE000  }
0x94: {  	[hbm4b:s1+s2] =	stream.linear.scatter [tilespmem:s8], [sflag:$0x5], $0x2000, $0x38;
	[tilespmem:$0x9000] =	vst v63  }
0x95: {  	_ =	swait.ge [sflag:s6], $0x2000  }
0x96: {  	s1 =	sld [smem:$0x7F6]  }
0x97: {  	[sflag:s6] =	ssyncset.done $0x0  }
0x98: {  	[sflag:s6] =	ssyncadd.s32 $0xFFFFE000  }
0x99: {  	[tilespmem:s8], [sflag:$0x1] =	stream.indirect.gather [hbm4b:s3+s10], $0x40, s1, s10, $0xb8;
	[tilespmem:$0x9000] =	vst v63  }
0x9a: {  	_ =	swait.ge [sflag:s14], $0x2000  }
0x9b: {  	[sflag:s14] =	ssyncset.done $0x0  }
0x9c: {  	s1 =	rddreg [dreg:$0xc];
	[sflag:s14] =	ssyncadd.s32 $0xFFFFE000  }
0x9d: {  	[hbm4b:s1+s2] =	stream.linear.scatter [tilespmem:s7], [sflag:$0x6], $0x2000, $0x38;
	[tilespmem:$0x9000] =	vst v63  }
0x9e: {  	_ =	swait.ge [sflag:s9], $0x2000  }
0x9f: {  	s1 =	sld [smem:$0x7F7]  }
0xa0: {  	[sflag:s9] =	ssyncset.done $0x0  }
0xa1: {  	[sflag:s9] =	ssyncadd.s32 $0xFFFFE000  }
0xa2: {  	[tilespmem:s7], [sflag:$0x2] =	stream.indirect.gather [hbm4b:s3+s10], $0x40, s1, s10, $0xb8;
	[tilespmem:$0x9000] =	vst v63  }
0xa3: {  	_ =	swait.ge [sflag:s15], $0x2000  }
0xa4: {  	[sflag:s15] =	ssyncset.done $0x0  }
0xa5: {  	s1 =	rddreg [dreg:$0xd];
	[sflag:s15] =	ssyncadd.s32 $0xFFFFE000  }
0xa6: {  	[hbm4b:s1+s2] =	stream.linear.scatter [tilespmem:s5], [sflag:$0x7], $0x2000, $0x38;
	[tilespmem:$0x9000] =	vst v63  }
0xa7: {  	_ =	swait.ge [sflag:s11], $0x2000  }
0xa8: {  	s1 =	sld [smem:$0x7F8]  }
0xa9: {  	[sflag:s11] =	ssyncset.done $0x0  }
0xaa: {  	[sflag:s11] =	ssyncadd.s32 $0xFFFFE000  }
0xab: {  	[tilespmem:s5], [sflag:$0x3] =	stream.indirect.gather [hbm4b:s3+s10], $0x40, s1, s10, $0xb8;
	[tilespmem:$0x9000] =	vst v63  }
0xac: {  	_ =	swait.ge [sflag:s16], $0x2000  }
0xad: {  	[sflag:s16] =	ssyncset.done $0x0  }
0xae: {  	s1 =	rddreg [dreg:$0xe];
	[sflag:s16] =	ssyncadd.s32 $0xFFFFE000  }
0xaf: {  	[hbm4b:s1+s2] =	stream.linear.scatter [tilespmem:s4], [sflag:$0x8], $0x2000, $0x38;
	[tilespmem:$0x9000] =	vst v63  }
0xb0: {  	_ =	swait.ge [sflag:s12], $0x2000  }
0xb1: {  	s1 =	sld [smem:$0x7F9]  }
0xb2: {  	[sflag:s12] =	ssyncset.done $0x0  }
0xb3: {  	[sflag:s12] =	ssyncadd.s32 $0xFFFFE000  }
0xb4: {  	[tilespmem:s4], [sflag:$0x4] =	stream.indirect.gather [hbm4b:s3+s10], $0x40, s1, s10, $0xb8;
	[tilespmem:$0x9000] =	vst v63  }
0xb5: {  	_ =	swait.ge [sflag:s13], $0x2000  }
0xb6: {  	[sflag:s13] =	ssyncset.done $0x0  }
0xb7: {  	s1 =	rddreg [dreg:$0xf];
	[sflag:s13] =	ssyncadd.s32 $0xFFFFE000  }
0xb8: {  	[hbm4b:s1+s2] =	stream.linear.scatter [tilespmem:s8], [sflag:$0x5], $0x2000, $0x38;
	[tilespmem:$0x9000] =	vst v63  }
0xb9: {  	_ =	swait.ge [sflag:s6], $0x2000  }
0xba: {  	s1 =	sld [smem:$0x7FA]  }
0xbb: {  	[sflag:s6] =	ssyncset.done $0x0  }
0xbc: {  	[sflag:s6] =	ssyncadd.s32 $0xFFFFE000  }
0xbd: {  	[tilespmem:s8], [sflag:$0x1] =	stream.indirect.gather [hbm4b:s3+s10], $0x40, s1, s10, $0xb8;
	[tilespmem:$0x9000] =	vst v63  }
0xbe: {  	_ =	swait.ge [sflag:s14], $0x2000  }
0xbf: {  	[sflag:s14] =	ssyncset.done $0x0  }
0xc0: {  	s1 =	rddreg [dreg:$0x10];
	[sflag:s14] =	ssyncadd.s32 $0xFFFFE000  }
0xc1: {  	[hbm4b:s1+s2] =	stream.linear.scatter [tilespmem:s7], [sflag:$0x6], $0x2000, $0x38;
	[tilespmem:$0x9000] =	vst v63  }
0xc2: {  	_ =	swait.ge [sflag:s9], $0x2000  }
0xc3: {  	s1 =	sld [smem:$0x7FB]  }
0xc4: {  	[sflag:s9] =	ssyncset.done $0x0  }
0xc5: {  	[sflag:s9] =	ssyncadd.s32 $0xFFFFE000  }
0xc6: {  	[tilespmem:s7], [sflag:$0x2] =	stream.indirect.gather [hbm4b:s3+s10], $0x40, s1, s10, $0xb8;
	[tilespmem:$0x9000] =	vst v63  }
0xc7: {  	_ =	swait.ge [sflag:s15], $0x2000  }
0xc8: {  	[sflag:s15] =	ssyncset.done $0x0  }
0xc9: {  	s1 =	rddreg [dreg:$0x11];
	[sflag:s15] =	ssyncadd.s32 $0xFFFFE000  }
0xca: {  	[hbm4b:s1+s2] =	stream.linear.scatter [tilespmem:s5], [sflag:$0x7], $0x2000, $0x38;
	[tilespmem:$0x9000] =	vst v63  }
0xcb: {  	_ =	swait.ge [sflag:s11], $0x2000  }
0xcc: {  	s1 =	sld [smem:$0x7FC]  }
0xcd: {  	[sflag:s11] =	ssyncset.done $0x0  }
0xce: {  	[sflag:s11] =	ssyncadd.s32 $0xFFFFE000  }
0xcf: {  	[tilespmem:s5], [sflag:$0x3] =	stream.indirect.gather [hbm4b:s3+s10], $0x40, s1, s10, $0xb8;
	[tilespmem:$0x9000] =	vst v63  }
0xd0: {  	_ =	swait.ge [sflag:s16], $0x2000  }
0xd1: {  	[sflag:s16] =	ssyncset.done $0x0  }
0xd2: {  	s1 =	rddreg [dreg:$0x12];
	[sflag:s16] =	ssyncadd.s32 $0xFFFFE000  }
0xd3: {  	[hbm4b:s1+s2] =	stream.linear.scatter [tilespmem:s4], [sflag:$0x8], $0x2000, $0x38;
	[tilespmem:$0x9000] =	vst v63  }
0xd4: {  	_ =	swait.ge [sflag:s12], $0x2000  }
0xd5: {  	s1 =	sld [smem:$0x7FD]  }
0xd6: {  	[sflag:s12] =	ssyncset.done $0x0  }
0xd7: {  	[sflag:s12] =	ssyncadd.s32 $0xFFFFE000  }
0xd8: {  	[tilespmem:s4], [sflag:$0x4] =	stream.indirect.gather [hbm4b:s3+s10], $0x40, s1, s10, $0xb8;
	[tilespmem:$0x9000] =	vst v63  }
0xd9: {  	_ =	swait.ge [sflag:s13], $0x2000  }
0xda: {  	[sflag:s13] =	ssyncset.done $0x0  }
0xdb: {  	s1 =	rddreg [dreg:$0x13];
	[sflag:s13] =	ssyncadd.s32 $0xFFFFE000  }
0xdc: {  	[hbm4b:s1+s2] =	stream.linear.scatter [tilespmem:s8], [sflag:$0x5], $0x2000, $0x38;
	[tilespmem:$0x9000] =	vst v63  }
0xdd: {  	_ =	swait.ge [sflag:s6], $0x2000  }
0xde: {  	[sflag:s6] =	ssyncset.done $0x0  }
0xdf: {  	s1 =	simm.s32 $0xA00;
	[sflag:s6] =	ssyncadd.s32 $0xFFFFE000  }
0xe0: {  	[tilespmem:s8], [sflag:$0x1] =	stream.indirect.gather [hbm4b:s3+s10], $0x40, s1, s10, $0xb8;
	[tilespmem:$0x9000] =	vst v63  }
0xe1: {  	_ =	swait.ge [sflag:s14], $0x2000  }
0xe2: {  	[sflag:s14] =	ssyncset.done $0x0  }
0xe3: {  	s1 =	rddreg [dreg:$0x14];
	[sflag:s14] =	ssyncadd.s32 $0xFFFFE000  }
0xe4: {  	[hbm4b:s1+s2] =	stream.linear.scatter [tilespmem:s7], [sflag:$0x6], $0x2000, $0x38;
	[tilespmem:$0x9000] =	vst v63  }
0xe5: {  	_ =	swait.ge [sflag:s9], $0x2000  }
0xe6: {  	[sflag:s9] =	ssyncset.done $0x0  }
0xe7: {  	[sflag:s9] =	ssyncadd.s32 $0xFFFFE000  }
0xe8: {  	[tilespmem:s7], [sflag:$0x2] =	stream.indirect.gather [hbm4b:s3+s10], $0x40, s29, s10, $0xb8;
	[tilespmem:$0x9000] =	vst v63  }
0xe9: {  	_ =	swait.ge [sflag:s15], $0x2000  }
0xea: {  	[sflag:s15] =	ssyncset.done $0x0  }
0xeb: {  	s1 =	rddreg [dreg:$0x15];
	[sflag:s15] =	ssyncadd.s32 $0xFFFFE000  }
0xec: {  	[hbm4b:s1+s2] =	stream.linear.scatter [tilespmem:s5], [sflag:$0x7], $0x2000, $0x38;
	[tilespmem:$0x9000] =	vst v63  }
0xed: {  	_ =	swait.ge [sflag:s11], $0x2000  }
0xee: {  	[sflag:s11] =	ssyncset.done $0x0  }
0xef: {  	[sflag:s11] =	ssyncadd.s32 $0xFFFFE000  }
0xf0: {  	[tilespmem:s5], [sflag:$0x3] =	stream.indirect.gather [hbm4b:s3+s10], $0x40, s28, s10, $0xb8;
	[tilespmem:$0x9000] =	vst v63  }
0xf1: {  	_ =	swait.ge [sflag:s16], $0x2000  }
0xf2: {  	[sflag:s16] =	ssyncset.done $0x0  }
0xf3: {  	s1 =	rddreg [dreg:$0x16];
	[sflag:s16] =	ssyncadd.s32 $0xFFFFE000  }
0xf4: {  	[hbm4b:s1+s2] =	stream.linear.scatter [tilespmem:s4], [sflag:$0x8], $0x2000, $0x38;
	[tilespmem:$0x9000] =	vst v63  }
0xf5: {  	_ =	swait.ge [sflag:s12], $0x2000  }
0xf6: {  	[sflag:s12] =	ssyncset.done $0x0  }
0xf7: {  	[sflag:s12] =	ssyncadd.s32 $0xFFFFE000  }
0xf8: {  	[tilespmem:s4], [sflag:$0x4] =	stream.indirect.gather [hbm4b:s3+s10], $0x40, s26, s10, $0xb8;
	[tilespmem:$0x9000] =	vst v63  }
0xf9: {  	_ =	swait.ge [sflag:s13], $0x2000  }
0xfa: {  	[sflag:s13] =	ssyncset.done $0x0  }
0xfb: {  	s1 =	rddreg [dreg:$0x17];
	[sflag:s13] =	ssyncadd.s32 $0xFFFFE000  }
0xfc: {  	[hbm4b:s1+s2] =	stream.linear.scatter [tilespmem:s8], [sflag:$0x5], $0x2000, $0x38;
	[tilespmem:$0x9000] =	vst v63  }
0xfd: {  	_ =	swait.ge [sflag:s6], $0x2000  }
0xfe: {  	[sflag:s6] =	ssyncset.done $0x0  }
0xff: {  	[sflag:s6] =	ssyncadd.s32 $0xFFFFE000  }
0x100: {  	[tilespmem:s8], [sflag:$0x1] =	stream.indirect.gather [hbm4b:s3+s10], $0x40, s25, s10, $0xb8;
	[tilespmem:$0x9000] =	vst v63  }
0x101: {  	_ =	swait.ge [sflag:s14], $0x2000  }
0x102: {  	[sflag:s14] =	ssyncset.done $0x0  }
0x103: {  	s1 =	rddreg [dreg:$0x18];
	[sflag:s14] =	ssyncadd.s32 $0xFFFFE000  }
0x104: {  	[hbm4b:s1+s2] =	stream.linear.scatter [tilespmem:s7], [sflag:$0x6], $0x2000, $0x38;
	[tilespmem:$0x9000] =	vst v63  }
0x105: {  	_ =	swait.ge [sflag:s9], $0x2000  }
0x106: {  	[sflag:s9] =	ssyncset.done $0x0  }
0x107: {  	[sflag:s9] =	ssyncadd.s32 $0xFFFFE000  }
0x108: {  	[tilespmem:s7], [sflag:$0x2] =	stream.indirect.gather [hbm4b:s3+s10], $0x40, s24, s10, $0xb8;
	[tilespmem:$0x9000] =	vst v63  }
0x109: {  	_ =	swait.ge [sflag:s15], $0x2000  }
0x10a: {  	[sflag:s15] =	ssyncset.done $0x0  }
0x10b: {  	s1 =	rddreg [dreg:$0x19];
	[sflag:s15] =	ssyncadd.s32 $0xFFFFE000  }
0x10c: {  	[hbm4b:s1+s2] =	stream.linear.scatter [tilespmem:s5], [sflag:$0x7], $0x2000, $0x38;
	[tilespmem:$0x9000] =	vst v63  }
0x10d: {  	_ =	swait.ge [sflag:s11], $0x2000  }
0x10e: {  	[sflag:s11] =	ssyncset.done $0x0  }
0x10f: {  	[sflag:s11] =	ssyncadd.s32 $0xFFFFE000  }
0x110: {  	[tilespmem:s5], [sflag:$0x3] =	stream.indirect.gather [hbm4b:s3+s10], $0x40, s23, s10, $0xb8;
	[tilespmem:$0x9000] =	vst v63  }
0x111: {  	_ =	swait.ge [sflag:s16], $0x2000  }
0x112: {  	[sflag:s16] =	ssyncset.done $0x0  }
0x113: {  	s1 =	rddreg [dreg:$0x1a];
	[sflag:s16] =	ssyncadd.s32 $0xFFFFE000  }
0x114: {  	[hbm4b:s1+s2] =	stream.linear.scatter [tilespmem:s4], [sflag:$0x8], $0x2000, $0x38;
	[tilespmem:$0x9000] =	vst v63  }
0x115: {  	_ =	swait.ge [sflag:s12], $0x2000  }
0x116: {  	[sflag:s12] =	ssyncset.done $0x0  }
0x117: {  	[sflag:s12] =	ssyncadd.s32 $0xFFFFE000  }
0x118: {  	[tilespmem:s4], [sflag:$0x4] =	stream.indirect.gather [hbm4b:s3+s10], $0x40, s22, s10, $0xb8;
	[tilespmem:$0x9000] =	vst v63  }
0x119: {  	_ =	swait.ge [sflag:s13], $0x2000  }
0x11a: {  	[sflag:s13] =	ssyncset.done $0x0  }
0x11b: {  	s1 =	rddreg [dreg:$0x1b];
	[sflag:s13] =	ssyncadd.s32 $0xFFFFE000  }
0x11c: {  	[hbm4b:s1+s2] =	stream.linear.scatter [tilespmem:s8], [sflag:$0x5], $0x2000, $0x38;
	[tilespmem:$0x9000] =	vst v63  }
0x11d: {  	_ =	swait.ge [sflag:s6], $0x2000  }
0x11e: {  	[sflag:s6] =	ssyncset.done $0x0  }
0x11f: {  	[sflag:s6] =	ssyncadd.s32 $0xFFFFE000  }
0x120: {  	[tilespmem:s8], [sflag:$0x1] =	stream.indirect.gather [hbm4b:s3+s10], $0x40, s21, s10, $0xb8;
	[tilespmem:$0x9000] =	vst v63  }
0x121: {  	_ =	swait.ge [sflag:s14], $0x2000  }
0x122: {  	[sflag:s14] =	ssyncset.done $0x0  }
0x123: {  	s1 =	rddreg [dreg:$0x1c];
	[sflag:s14] =	ssyncadd.s32 $0xFFFFE000  }
0x124: {  	[hbm4b:s1+s2] =	stream.linear.scatter [tilespmem:s7], [sflag:$0x6], $0x2000, $0x38;
	[tilespmem:$0x9000] =	vst v63  }
0x125: {  	_ =	swait.ge [sflag:s9], $0x2000  }
0x126: {  	[sflag:s9] =	ssyncset.done $0x0  }
0x127: {  	[sflag:s9] =	ssyncadd.s32 $0xFFFFE000  }
0x128: {  	[tilespmem:s7], [sflag:$0x2] =	stream.indirect.gather [hbm4b:s3+s10], $0x40, s20, s10, $0xb8;
	[tilespmem:$0x9000] =	vst v63  }
0x129: {  	_ =	swait.ge [sflag:s15], $0x2000  }
0x12a: {  	[sflag:s15] =	ssyncset.done $0x0  }
0x12b: {  	s1 =	rddreg [dreg:$0x1d];
	[sflag:s15] =	ssyncadd.s32 $0xFFFFE000  }
0x12c: {  	[hbm4b:s1+s2] =	stream.linear.scatter [tilespmem:s5], [sflag:$0x7], $0x2000, $0x38;
	[tilespmem:$0x9000] =	vst v63  }
0x12d: {  	_ =	swait.ge [sflag:s11], $0x2000  }
0x12e: {  	[sflag:s11] =	ssyncset.done $0x0  }
0x12f: {  	[sflag:s11] =	ssyncadd.s32 $0xFFFFE000  }
0x130: {  	[tilespmem:s5], [sflag:$0x3] =	stream.indirect.gather [hbm4b:s3+s10], $0x40, s19, s10, $0xb8;
	[tilespmem:$0x9000] =	vst v63  }
0x131: {  	_ =	swait.ge [sflag:s16], $0x2000  }
0x132: {  	[sflag:s16] =	ssyncset.done $0x0  }
0x133: {  	s1 =	rddreg [dreg:$0x1e];
	[sflag:s16] =	ssyncadd.s32 $0xFFFFE000  }
0x134: {  	[hbm4b:s1+s2] =	stream.linear.scatter [tilespmem:s4], [sflag:$0x8], $0x2000, $0x38;
	[tilespmem:$0x9000] =	vst v63  }
0x135: {  	_ =	swait.ge [sflag:s12], $0x2000  }
0x136: {  	[sflag:s12] =	ssyncset.done $0x0  }
0x137: {  	[sflag:s12] =	ssyncadd.s32 $0xFFFFE000  }
0x138: {  	[tilespmem:s4], [sflag:$0x4] =	stream.indirect.gather [hbm4b:s3+s10], $0x40, s18, s10, $0xb8;
	[tilespmem:$0x9000] =	vst v63  }
0x139: {  	_ =	swait.ge [sflag:s13], $0x2000  }
0x13a: {  	[sflag:s13] =	ssyncset.done $0x0  }
0x13b: {  	s1 =	rddreg [dreg:$0x1f];
	[sflag:s13] =	ssyncadd.s32 $0xFFFFE000  }
0x13c: {  	[hbm4b:s1+s2] =	stream.linear.scatter [tilespmem:s8], [sflag:$0x5], $0x2000, $0x38;
	[tilespmem:$0x9000] =	vst v63  }
0x13d: {  	_ =	swait.ge [sflag:s14], $0x2000  }
0x13e: {  	s1 =	sld [smem:$0x7E9]  }
0x13f: {  	[sflag:s14] =	ssyncset.done $0x0  }
0x140: {  	[sflag:s14] =	ssyncadd.s32 $0xFFFFE000  }
0x141: {  	[hbm4b:s1+s2] =	stream.linear.scatter [tilespmem:s7], [sflag:$0x6], $0x2000, $0x38;
	[tilespmem:$0x9000] =	vst v63  }
0x142: {  	_ =	swait.ge [sflag:s15], $0x2000  }
0x143: {  	s1 =	sld [smem:$0x7EA]  }
0x144: {  	[sflag:s15] =	ssyncset.done $0x0  }
0x145: {  	[sflag:s15] =	ssyncadd.s32 $0xFFFFE000  }
0x146: {  	[hbm4b:s1+s2] =	stream.linear.scatter [tilespmem:s5], [sflag:$0x7], $0x2000, $0x38;
	[tilespmem:$0x9000] =	vst v63  }
0x147: {  	_ =	swait.ge [sflag:s16], $0x2000  }
0x148: {  	s1 =	sld [smem:$0x7EB]  }
0x149: {  	[sflag:s16] =	ssyncset.done $0x0  }
0x14a: {  	[sflag:s16] =	ssyncadd.s32 $0xFFFFE000  }
0x14b: {  	[hbm4b:s1+s2] =	stream.linear.scatter [tilespmem:s4], [sflag:$0x8], $0x2000, $0x38;
	[tilespmem:$0x9000] =	vst v63  }
0x14c: {  	_ =	swait.ge [sflag:s6], $0x2000  }
0x14d: {  	[sflag:s6] =	ssyncset.done $0x0  }
0x14e: {  	[sflag:s6] =	ssyncadd.s32 $0xFFFFE000  }
0x14f: {  	_ =	swait.ge [sflag:s9], $0x2000  }
0x150: {  	[sflag:s9] =	ssyncset.done $0x0  }
0x151: {  	p1 =	sne.s32 s17, $0x1;
	[sflag:s9] =	ssyncadd.s32 $0xFFFFE000  }
.Ltmp1:
0x152: {  	_ =	swait.ge [sflag:s11], $0x2000;
	(pc) =	sbr.rel @!p1 .LBB2_3-.Ltmp1, $4  }
0x153: {  	[sflag:s11] =	ssyncset.done $0x0  }
0x154: {  	[sflag:s11] =	ssyncadd.s32 $0xFFFFE000  }
0x155: {  	p0 =	por $0x1, $0x1;
	_ =	swait.ge [sflag:s12], $0x2000  }
0x156: {  	s1 =	sadd.s32 $0xFFFFFFFF, s17;
	s0 =	rddreg [dreg:$0x3];
	[sflag:s12] =	ssyncset.done $0x0  }
.LBB2_4:
0x157: {  	[sflag:s12] =	ssyncadd.s32 $0xFFFFE000  }
0x158: {  	[tilespmem:s2], [sflag:$0x9] =	stream.linear.gather [hbm4b:s0+s2], $0x1000, $0x38;
	[tilespmem:$0x9000] =	vst v63  }
0x159: {  	_ =	swait.ge [sflag:s31], $0x1000  }
0x15a: {  	[sflag:s31] =	ssyncset.done $0x0  }
0x15b: {  	[sflag:s31] =	ssyncadd.s32 $0xFFFFF000  }
0x15c: {  	[tilespmem:s8], [sflag:$0x1] =	stream.indirect.gather [hbm4b:s3+s10], $0x40, s2, s10, $0xb8;
	[tilespmem:$0x9000] =	vst v63  }
0x15d: {  	s0 =	sld [smem:$0x7EC]  }
0x15e: {  	[tilespmem:s7], [sflag:$0x2] =	stream.indirect.gather [hbm4b:s3+s10], $0x40, s10, s10, $0xb8;
	[tilespmem:$0x9000] =	vst v63  }
0x15f: {  	s17 =	sld [smem:$0x7ED]  }
0x160: {  	[tilespmem:s5], [sflag:$0x3] =	stream.indirect.gather [hbm4b:s3+s10], $0x40, s0, s10, $0xb8;
	[tilespmem:$0x9000] =	vst v63  }
0x161: {  	_ = 	snop  }
0x162: {  	[tilespmem:s4], [sflag:$0x4] =	stream.indirect.gather [hbm4b:s3+s10], $0x40, s17, s10, $0xb8;
	[tilespmem:$0x9000] =	vst v63  }
0x163: {  	_ =	swait.ge [sflag:s13], $0x2000  }
0x164: {  	[sflag:s13] =	ssyncset.done $0x0  }
0x165: {  	[sflag:s13] =	ssyncadd.s32 $0xFFFFE000  }
0x166: {  	[hbm4b:s30+s2] =	stream.linear.scatter [tilespmem:s8], [sflag:$0x5], $0x2000, $0x38;
	[tilespmem:$0x9000] =	vst v63  }
0x167: {  	_ =	swait.ge [sflag:s6], $0x2000  }
0x168: {  	s17 =	sld [smem:$0x7EE]  }
0x169: {  	[sflag:s6] =	ssyncset.done $0x0  }
0x16a: {  	[sflag:s6] =	ssyncadd.s32 $0xFFFFE000  }
0x16b: {  	[tilespmem:s8], [sflag:$0x1] =	stream.indirect.gather [hbm4b:s3+s10], $0x40, s17, s10, $0xb8;
	[tilespmem:$0x9000] =	vst v63  }
0x16c: {  	_ =	swait.ge [sflag:s14], $0x2000  }
0x16d: {  	[sflag:s14] =	ssyncset.done $0x0  }
0x16e: {  	s17 =	rddreg [dreg:$0x4];
	[sflag:s14] =	ssyncadd.s32 $0xFFFFE000  }
0x16f: {  	[hbm4b:s17+s2] =	stream.linear.scatter [tilespmem:s7], [sflag:$0x6], $0x2000, $0x38;
	[tilespmem:$0x9000] =	vst v63  }
0x170: {  	_ =	swait.ge [sflag:s9], $0x2000  }
0x171: {  	s17 =	sld [smem:$0x7EF]  }
0x172: {  	[sflag:s9] =	ssyncset.done $0x0  }
0x173: {  	[sflag:s9] =	ssyncadd.s32 $0xFFFFE000  }
0x174: {  	[tilespmem:s7], [sflag:$0x2] =	stream.indirect.gather [hbm4b:s3+s10], $0x40, s17, s10, $0xb8;
	[tilespmem:$0x9000] =	vst v63  }
0x175: {  	_ =	swait.ge [sflag:s15], $0x2000  }
0x176: {  	[sflag:s15] =	ssyncset.done $0x0  }
0x177: {  	s17 =	rddreg [dreg:$0x5];
	[sflag:s15] =	ssyncadd.s32 $0xFFFFE000  }
0x178: {  	[hbm4b:s17+s2] =	stream.linear.scatter [tilespmem:s5], [sflag:$0x7], $0x2000, $0x38;
	[tilespmem:$0x9000] =	vst v63  }
0x179: {  	_ =	swait.ge [sflag:s11], $0x2000  }
0x17a: {  	s17 =	sld [smem:$0x7F0]  }
0x17b: {  	[sflag:s11] =	ssyncset.done $0x0  }
0x17c: {  	[sflag:s11] =	ssyncadd.s32 $0xFFFFE000  }
0x17d: {  	[tilespmem:s5], [sflag:$0x3] =	stream.indirect.gather [hbm4b:s3+s10], $0x40, s17, s10, $0xb8;
	[tilespmem:$0x9000] =	vst v63  }
0x17e: {  	_ =	swait.ge [sflag:s16], $0x2000  }
0x17f: {  	[sflag:s16] =	ssyncset.done $0x0  }
0x180: {  	s17 =	rddreg [dreg:$0x6];
	[sflag:s16] =	ssyncadd.s32 $0xFFFFE000  }
0x181: {  	[hbm4b:s17+s2] =	stream.linear.scatter [tilespmem:s4], [sflag:$0x8], $0x2000, $0x38;
	[tilespmem:$0x9000] =	vst v63  }
0x182: {  	_ =	swait.ge [sflag:s12], $0x2000  }
0x183: {  	s17 =	sld [smem:$0x7F1]  }
0x184: {  	[sflag:s12] =	ssyncset.done $0x0  }
0x185: {  	[sflag:s12] =	ssyncadd.s32 $0xFFFFE000  }
0x186: {  	[tilespmem:s4], [sflag:$0x4] =	stream.indirect.gather [hbm4b:s3+s10], $0x40, s17, s10, $0xb8;
	[tilespmem:$0x9000] =	vst v63  }
0x187: {  	_ =	swait.ge [sflag:s13], $0x2000  }
0x188: {  	[sflag:s13] =	ssyncset.done $0x0  }
0x189: {  	s17 =	rddreg [dreg:$0x7];
	[sflag:s13] =	ssyncadd.s32 $0xFFFFE000  }
0x18a: {  	[hbm4b:s17+s2] =	stream.linear.scatter [tilespmem:s8], [sflag:$0x5], $0x2000, $0x38;
	[tilespmem:$0x9000] =	vst v63  }
0x18b: {  	_ =	swait.ge [sflag:s6], $0x2000  }
0x18c: {  	s17 =	sld [smem:$0x7F2]  }
0x18d: {  	[sflag:s6] =	ssyncset.done $0x0  }
0x18e: {  	[sflag:s6] =	ssyncadd.s32 $0xFFFFE000  }
0x18f: {  	[tilespmem:s8], [sflag:$0x1] =	stream.indirect.gather [hbm4b:s3+s10], $0x40, s17, s10, $0xb8;
	[tilespmem:$0x9000] =	vst v63  }
0x190: {  	_ =	swait.ge [sflag:s14], $0x2000  }
0x191: {  	[sflag:s14] =	ssyncset.done $0x0  }
0x192: {  	s17 =	rddreg [dreg:$0x8];
	[sflag:s14] =	ssyncadd.s32 $0xFFFFE000  }
0x193: {  	[hbm4b:s17+s2] =	stream.linear.scatter [tilespmem:s7], [sflag:$0x6], $0x2000, $0x38;
	[tilespmem:$0x9000] =	vst v63  }
0x194: {  	_ =	swait.ge [sflag:s9], $0x2000  }
0x195: {  	s17 =	sld [smem:$0x7F3]  }
0x196: {  	[sflag:s9] =	ssyncset.done $0x0  }
0x197: {  	[sflag:s9] =	ssyncadd.s32 $0xFFFFE000  }
0x198: {  	[tilespmem:s7], [sflag:$0x2] =	stream.indirect.gather [hbm4b:s3+s10], $0x40, s17, s10, $0xb8;
	[tilespmem:$0x9000] =	vst v63  }
0x199: {  	_ =	swait.ge [sflag:s15], $0x2000  }
0x19a: {  	[sflag:s15] =	ssyncset.done $0x0  }
0x19b: {  	s17 =	rddreg [dreg:$0x9];
	[sflag:s15] =	ssyncadd.s32 $0xFFFFE000  }
0x19c: {  	[hbm4b:s17+s2] =	stream.linear.scatter [tilespmem:s5], [sflag:$0x7], $0x2000, $0x38;
	[tilespmem:$0x9000] =	vst v63  }
0x19d: {  	_ =	swait.ge [sflag:s11], $0x2000  }
0x19e: {  	s17 =	sld [smem:$0x7F4]  }
0x19f: {  	[sflag:s11] =	ssyncset.done $0x0  }
0x1a0: {  	[sflag:s11] =	ssyncadd.s32 $0xFFFFE000  }
0x1a1: {  	[tilespmem:s5], [sflag:$0x3] =	stream.indirect.gather [hbm4b:s3+s10], $0x40, s17, s10, $0xb8;
	[tilespmem:$0x9000] =	vst v63  }
0x1a2: {  	_ =	swait.ge [sflag:s16], $0x2000  }
0x1a3: {  	[sflag:s16] =	ssyncset.done $0x0  }
0x1a4: {  	s17 =	rddreg [dreg:$0xa];
	[sflag:s16] =	ssyncadd.s32 $0xFFFFE000  }
0x1a5: {  	[hbm4b:s17+s2] =	stream.linear.scatter [tilespmem:s4], [sflag:$0x8], $0x2000, $0x38;
	[tilespmem:$0x9000] =	vst v63  }
0x1a6: {  	_ =	swait.ge [sflag:s12], $0x2000  }
0x1a7: {  	s17 =	sld [smem:$0x7F5]  }
0x1a8: {  	[sflag:s12] =	ssyncset.done $0x0  }
0x1a9: {  	[sflag:s12] =	ssyncadd.s32 $0xFFFFE000  }
0x1aa: {  	[tilespmem:s4], [sflag:$0x4] =	stream.indirect.gather [hbm4b:s3+s10], $0x40, s17, s10, $0xb8;
	[tilespmem:$0x9000] =	vst v63  }
0x1ab: {  	_ =	swait.ge [sflag:s13], $0x2000  }
0x1ac: {  	[sflag:s13] =	ssyncset.done $0x0  }
0x1ad: {  	s17 =	rddreg [dreg:$0xb];
	[sflag:s13] =	ssyncadd.s32 $0xFFFFE000  }
0x1ae: {  	[hbm4b:s17+s2] =	stream.linear.scatter [tilespmem:s8], [sflag:$0x5], $0x2000, $0x38;
	[tilespmem:$0x9000] =	vst v63  }
0x1af: {  	_ =	swait.ge [sflag:s6], $0x2000  }
0x1b0: {  	s17 =	sld [smem:$0x7F6]  }
0x1b1: {  	[sflag:s6] =	ssyncset.done $0x0  }
0x1b2: {  	[sflag:s6] =	ssyncadd.s32 $0xFFFFE000  }
0x1b3: {  	[tilespmem:s8], [sflag:$0x1] =	stream.indirect.gather [hbm4b:s3+s10], $0x40, s17, s10, $0xb8;
	[tilespmem:$0x9000] =	vst v63  }
0x1b4: {  	_ =	swait.ge [sflag:s14], $0x2000  }
0x1b5: {  	[sflag:s14] =	ssyncset.done $0x0  }
0x1b6: {  	s17 =	rddreg [dreg:$0xc];
	[sflag:s14] =	ssyncadd.s32 $0xFFFFE000  }
0x1b7: {  	[hbm4b:s17+s2] =	stream.linear.scatter [tilespmem:s7], [sflag:$0x6], $0x2000, $0x38;
	[tilespmem:$0x9000] =	vst v63  }
0x1b8: {  	_ =	swait.ge [sflag:s9], $0x2000  }
0x1b9: {  	s17 =	sld [smem:$0x7F7]  }
0x1ba: {  	[sflag:s9] =	ssyncset.done $0x0  }
0x1bb: {  	[sflag:s9] =	ssyncadd.s32 $0xFFFFE000  }
0x1bc: {  	[tilespmem:s7], [sflag:$0x2] =	stream.indirect.gather [hbm4b:s3+s10], $0x40, s17, s10, $0xb8;
	[tilespmem:$0x9000] =	vst v63  }
0x1bd: {  	_ =	swait.ge [sflag:s15], $0x2000  }
0x1be: {  	[sflag:s15] =	ssyncset.done $0x0  }
0x1bf: {  	s17 =	rddreg [dreg:$0xd];
	[sflag:s15] =	ssyncadd.s32 $0xFFFFE000  }
0x1c0: {  	[hbm4b:s17+s2] =	stream.linear.scatter [tilespmem:s5], [sflag:$0x7], $0x2000, $0x38;
	[tilespmem:$0x9000] =	vst v63  }
0x1c1: {  	_ =	swait.ge [sflag:s11], $0x2000  }
0x1c2: {  	s17 =	sld [smem:$0x7F8]  }
0x1c3: {  	[sflag:s11] =	ssyncset.done $0x0  }
0x1c4: {  	[sflag:s11] =	ssyncadd.s32 $0xFFFFE000  }
0x1c5: {  	[tilespmem:s5], [sflag:$0x3] =	stream.indirect.gather [hbm4b:s3+s10], $0x40, s17, s10, $0xb8;
	[tilespmem:$0x9000] =	vst v63  }
0x1c6: {  	_ =	swait.ge [sflag:s16], $0x2000  }
0x1c7: {  	[sflag:s16] =	ssyncset.done $0x0  }
0x1c8: {  	s17 =	rddreg [dreg:$0xe];
	[sflag:s16] =	ssyncadd.s32 $0xFFFFE000  }
0x1c9: {  	[hbm4b:s17+s2] =	stream.linear.scatter [tilespmem:s4], [sflag:$0x8], $0x2000, $0x38;
	[tilespmem:$0x9000] =	vst v63  }
0x1ca: {  	_ =	swait.ge [sflag:s12], $0x2000  }
0x1cb: {  	s17 =	sld [smem:$0x7F9]  }
0x1cc: {  	[sflag:s12] =	ssyncset.done $0x0  }
0x1cd: {  	[sflag:s12] =	ssyncadd.s32 $0xFFFFE000  }
0x1ce: {  	[tilespmem:s4], [sflag:$0x4] =	stream.indirect.gather [hbm4b:s3+s10], $0x40, s17, s10, $0xb8;
	[tilespmem:$0x9000] =	vst v63  }
0x1cf: {  	_ =	swait.ge [sflag:s13], $0x2000  }
0x1d0: {  	[sflag:s13] =	ssyncset.done $0x0  }
0x1d1: {  	s17 =	rddreg [dreg:$0xf];
	[sflag:s13] =	ssyncadd.s32 $0xFFFFE000  }
0x1d2: {  	[hbm4b:s17+s2] =	stream.linear.scatter [tilespmem:s8], [sflag:$0x5], $0x2000, $0x38;
	[tilespmem:$0x9000] =	vst v63  }
0x1d3: {  	_ =	swait.ge [sflag:s6], $0x2000  }
0x1d4: {  	s17 =	sld [smem:$0x7FA]  }
0x1d5: {  	[sflag:s6] =	ssyncset.done $0x0  }
0x1d6: {  	[sflag:s6] =	ssyncadd.s32 $0xFFFFE000  }
0x1d7: {  	[tilespmem:s8], [sflag:$0x1] =	stream.indirect.gather [hbm4b:s3+s10], $0x40, s17, s10, $0xb8;
	[tilespmem:$0x9000] =	vst v63  }
0x1d8: {  	_ =	swait.ge [sflag:s14], $0x2000  }
0x1d9: {  	[sflag:s14] =	ssyncset.done $0x0  }
0x1da: {  	s17 =	rddreg [dreg:$0x10];
	[sflag:s14] =	ssyncadd.s32 $0xFFFFE000  }
0x1db: {  	[hbm4b:s17+s2] =	stream.linear.scatter [tilespmem:s7], [sflag:$0x6], $0x2000, $0x38;
	[tilespmem:$0x9000] =	vst v63  }
0x1dc: {  	_ =	swait.ge [sflag:s9], $0x2000  }
0x1dd: {  	s17 =	sld [smem:$0x7FB]  }
0x1de: {  	[sflag:s9] =	ssyncset.done $0x0  }
0x1df: {  	[sflag:s9] =	ssyncadd.s32 $0xFFFFE000  }
0x1e0: {  	[tilespmem:s7], [sflag:$0x2] =	stream.indirect.gather [hbm4b:s3+s10], $0x40, s17, s10, $0xb8;
	[tilespmem:$0x9000] =	vst v63  }
0x1e1: {  	_ =	swait.ge [sflag:s15], $0x2000  }
0x1e2: {  	[sflag:s15] =	ssyncset.done $0x0  }
0x1e3: {  	s17 =	rddreg [dreg:$0x11];
	[sflag:s15] =	ssyncadd.s32 $0xFFFFE000  }
0x1e4: {  	[hbm4b:s17+s2] =	stream.linear.scatter [tilespmem:s5], [sflag:$0x7], $0x2000, $0x38;
	[tilespmem:$0x9000] =	vst v63  }
0x1e5: {  	_ =	swait.ge [sflag:s11], $0x2000  }
0x1e6: {  	s17 =	sld [smem:$0x7FC]  }
0x1e7: {  	[sflag:s11] =	ssyncset.done $0x0  }
0x1e8: {  	[sflag:s11] =	ssyncadd.s32 $0xFFFFE000  }
0x1e9: {  	[tilespmem:s5], [sflag:$0x3] =	stream.indirect.gather [hbm4b:s3+s10], $0x40, s17, s10, $0xb8;
	[tilespmem:$0x9000] =	vst v63  }
0x1ea: {  	_ =	swait.ge [sflag:s16], $0x2000  }
0x1eb: {  	[sflag:s16] =	ssyncset.done $0x0  }
0x1ec: {  	s17 =	rddreg [dreg:$0x12];
	[sflag:s16] =	ssyncadd.s32 $0xFFFFE000  }
0x1ed: {  	[hbm4b:s17+s2] =	stream.linear.scatter [tilespmem:s4], [sflag:$0x8], $0x2000, $0x38;
	[tilespmem:$0x9000] =	vst v63  }
0x1ee: {  	_ =	swait.ge [sflag:s12], $0x2000  }
0x1ef: {  	s17 =	sld [smem:$0x7FD]  }
0x1f0: {  	[sflag:s12] =	ssyncset.done $0x0  }
0x1f1: {  	[sflag:s12] =	ssyncadd.s32 $0xFFFFE000  }
0x1f2: {  	[tilespmem:s4], [sflag:$0x4] =	stream.indirect.gather [hbm4b:s3+s10], $0x40, s17, s10, $0xb8;
	[tilespmem:$0x9000] =	vst v63  }
0x1f3: {  	_ =	swait.ge [sflag:s13], $0x2000  }
0x1f4: {  	[sflag:s13] =	ssyncset.done $0x0  }
0x1f5: {  	s17 =	rddreg [dreg:$0x13];
	[sflag:s13] =	ssyncadd.s32 $0xFFFFE000  }
0x1f6: {  	[hbm4b:s17+s2] =	stream.linear.scatter [tilespmem:s8], [sflag:$0x5], $0x2000, $0x38;
	[tilespmem:$0x9000] =	vst v63  }
0x1f7: {  	_ =	swait.ge [sflag:s6], $0x2000  }
0x1f8: {  	[sflag:s6] =	ssyncset.done $0x0  }
0x1f9: {  	s17 =	simm.s32 $0xA00;
	[sflag:s6] =	ssyncadd.s32 $0xFFFFE000  }
0x1fa: {  	[tilespmem:s8], [sflag:$0x1] =	stream.indirect.gather [hbm4b:s3+s10], $0x40, s17, s10, $0xb8;
	[tilespmem:$0x9000] =	vst v63  }
0x1fb: {  	_ =	swait.ge [sflag:s14], $0x2000  }
0x1fc: {  	[sflag:s14] =	ssyncset.done $0x0  }
0x1fd: {  	s17 =	rddreg [dreg:$0x14];
	[sflag:s14] =	ssyncadd.s32 $0xFFFFE000  }
0x1fe: {  	[hbm4b:s17+s2] =	stream.linear.scatter [tilespmem:s7], [sflag:$0x6], $0x2000, $0x38;
	[tilespmem:$0x9000] =	vst v63  }
0x1ff: {  	_ =	swait.ge [sflag:s9], $0x2000  }
0x200: {  	[sflag:s9] =	ssyncset.done $0x0  }
0x201: {  	[sflag:s9] =	ssyncadd.s32 $0xFFFFE000  }
0x202: {  	[tilespmem:s7], [sflag:$0x2] =	stream.indirect.gather [hbm4b:s3+s10], $0x40, s29, s10, $0xb8;
	[tilespmem:$0x9000] =	vst v63  }
0x203: {  	_ =	swait.ge [sflag:s15], $0x2000  }
0x204: {  	[sflag:s15] =	ssyncset.done $0x0  }
0x205: {  	s17 =	rddreg [dreg:$0x15];
	[sflag:s15] =	ssyncadd.s32 $0xFFFFE000  }
0x206: {  	[hbm4b:s17+s2] =	stream.linear.scatter [tilespmem:s5], [sflag:$0x7], $0x2000, $0x38;
	[tilespmem:$0x9000] =	vst v63  }
0x207: {  	_ =	swait.ge [sflag:s11], $0x2000  }
0x208: {  	[sflag:s11] =	ssyncset.done $0x0  }
0x209: {  	[sflag:s11] =	ssyncadd.s32 $0xFFFFE000  }
0x20a: {  	[tilespmem:s5], [sflag:$0x3] =	stream.indirect.gather [hbm4b:s3+s10], $0x40, s28, s10, $0xb8;
	[tilespmem:$0x9000] =	vst v63  }
0x20b: {  	_ =	swait.ge [sflag:s16], $0x2000  }
0x20c: {  	[sflag:s16] =	ssyncset.done $0x0  }
0x20d: {  	s17 =	rddreg [dreg:$0x16];
	[sflag:s16] =	ssyncadd.s32 $0xFFFFE000  }
0x20e: {  	[hbm4b:s17+s2] =	stream.linear.scatter [tilespmem:s4], [sflag:$0x8], $0x2000, $0x38;
	[tilespmem:$0x9000] =	vst v63  }
0x20f: {  	_ =	swait.ge [sflag:s12], $0x2000  }
0x210: {  	[sflag:s12] =	ssyncset.done $0x0  }
0x211: {  	[sflag:s12] =	ssyncadd.s32 $0xFFFFE000  }
0x212: {  	[tilespmem:s4], [sflag:$0x4] =	stream.indirect.gather [hbm4b:s3+s10], $0x40, s26, s10, $0xb8;
	[tilespmem:$0x9000] =	vst v63  }
0x213: {  	_ =	swait.ge [sflag:s13], $0x2000  }
0x214: {  	[sflag:s13] =	ssyncset.done $0x0  }
0x215: {  	s17 =	rddreg [dreg:$0x17];
	[sflag:s13] =	ssyncadd.s32 $0xFFFFE000  }
0x216: {  	[hbm4b:s17+s2] =	stream.linear.scatter [tilespmem:s8], [sflag:$0x5], $0x2000, $0x38;
	[tilespmem:$0x9000] =	vst v63  }
0x217: {  	_ =	swait.ge [sflag:s6], $0x2000  }
0x218: {  	[sflag:s6] =	ssyncset.done $0x0  }
0x219: {  	[sflag:s6] =	ssyncadd.s32 $0xFFFFE000  }
0x21a: {  	[tilespmem:s8], [sflag:$0x1] =	stream.indirect.gather [hbm4b:s3+s10], $0x40, s25, s10, $0xb8;
	[tilespmem:$0x9000] =	vst v63  }
0x21b: {  	_ =	swait.ge [sflag:s14], $0x2000  }
0x21c: {  	[sflag:s14] =	ssyncset.done $0x0  }
0x21d: {  	s17 =	rddreg [dreg:$0x18];
	[sflag:s14] =	ssyncadd.s32 $0xFFFFE000  }
0x21e: {  	[hbm4b:s17+s2] =	stream.linear.scatter [tilespmem:s7], [sflag:$0x6], $0x2000, $0x38;
	[tilespmem:$0x9000] =	vst v63  }
0x21f: {  	_ =	swait.ge [sflag:s9], $0x2000  }
0x220: {  	[sflag:s9] =	ssyncset.done $0x0  }
0x221: {  	[sflag:s9] =	ssyncadd.s32 $0xFFFFE000  }
0x222: {  	[tilespmem:s7], [sflag:$0x2] =	stream.indirect.gather [hbm4b:s3+s10], $0x40, s24, s10, $0xb8;
	[tilespmem:$0x9000] =	vst v63  }
0x223: {  	_ =	swait.ge [sflag:s15], $0x2000  }
0x224: {  	[sflag:s15] =	ssyncset.done $0x0  }
0x225: {  	s17 =	rddreg [dreg:$0x19];
	[sflag:s15] =	ssyncadd.s32 $0xFFFFE000  }
0x226: {  	[hbm4b:s17+s2] =	stream.linear.scatter [tilespmem:s5], [sflag:$0x7], $0x2000, $0x38;
	[tilespmem:$0x9000] =	vst v63  }
0x227: {  	_ =	swait.ge [sflag:s11], $0x2000  }
0x228: {  	[sflag:s11] =	ssyncset.done $0x0  }
0x229: {  	[sflag:s11] =	ssyncadd.s32 $0xFFFFE000  }
0x22a: {  	[tilespmem:s5], [sflag:$0x3] =	stream.indirect.gather [hbm4b:s3+s10], $0x40, s23, s10, $0xb8;
	[tilespmem:$0x9000] =	vst v63  }
0x22b: {  	_ =	swait.ge [sflag:s16], $0x2000  }
0x22c: {  	[sflag:s16] =	ssyncset.done $0x0  }
0x22d: {  	s17 =	rddreg [dreg:$0x1a];
	[sflag:s16] =	ssyncadd.s32 $0xFFFFE000  }
0x22e: {  	[hbm4b:s17+s2] =	stream.linear.scatter [tilespmem:s4], [sflag:$0x8], $0x2000, $0x38;
	[tilespmem:$0x9000] =	vst v63  }
0x22f: {  	_ =	swait.ge [sflag:s12], $0x2000  }
0x230: {  	[sflag:s12] =	ssyncset.done $0x0  }
0x231: {  	[sflag:s12] =	ssyncadd.s32 $0xFFFFE000  }
0x232: {  	[tilespmem:s4], [sflag:$0x4] =	stream.indirect.gather [hbm4b:s3+s10], $0x40, s22, s10, $0xb8;
	[tilespmem:$0x9000] =	vst v63  }
0x233: {  	_ =	swait.ge [sflag:s13], $0x2000  }
0x234: {  	[sflag:s13] =	ssyncset.done $0x0  }
0x235: {  	s17 =	rddreg [dreg:$0x1b];
	[sflag:s13] =	ssyncadd.s32 $0xFFFFE000  }
0x236: {  	[hbm4b:s17+s2] =	stream.linear.scatter [tilespmem:s8], [sflag:$0x5], $0x2000, $0x38;
	[tilespmem:$0x9000] =	vst v63  }
0x237: {  	_ =	swait.ge [sflag:s6], $0x2000  }
0x238: {  	[sflag:s6] =	ssyncset.done $0x0  }
0x239: {  	[sflag:s6] =	ssyncadd.s32 $0xFFFFE000  }
0x23a: {  	[tilespmem:s8], [sflag:$0x1] =	stream.indirect.gather [hbm4b:s3+s10], $0x40, s21, s10, $0xb8;
	[tilespmem:$0x9000] =	vst v63  }
0x23b: {  	_ =	swait.ge [sflag:s14], $0x2000  }
0x23c: {  	[sflag:s14] =	ssyncset.done $0x0  }
0x23d: {  	s17 =	rddreg [dreg:$0x1c];
	[sflag:s14] =	ssyncadd.s32 $0xFFFFE000  }
0x23e: {  	[hbm4b:s17+s2] =	stream.linear.scatter [tilespmem:s7], [sflag:$0x6], $0x2000, $0x38;
	[tilespmem:$0x9000] =	vst v63  }
0x23f: {  	_ =	swait.ge [sflag:s9], $0x2000  }
0x240: {  	[sflag:s9] =	ssyncset.done $0x0  }
0x241: {  	[sflag:s9] =	ssyncadd.s32 $0xFFFFE000  }
0x242: {  	[tilespmem:s7], [sflag:$0x2] =	stream.indirect.gather [hbm4b:s3+s10], $0x40, s20, s10, $0xb8;
	[tilespmem:$0x9000] =	vst v63  }
0x243: {  	_ =	swait.ge [sflag:s15], $0x2000  }
0x244: {  	[sflag:s15] =	ssyncset.done $0x0  }
0x245: {  	s17 =	rddreg [dreg:$0x1d];
	[sflag:s15] =	ssyncadd.s32 $0xFFFFE000  }
0x246: {  	[hbm4b:s17+s2] =	stream.linear.scatter [tilespmem:s5], [sflag:$0x7], $0x2000, $0x38;
	[tilespmem:$0x9000] =	vst v63  }
0x247: {  	_ =	swait.ge [sflag:s11], $0x2000  }
0x248: {  	[sflag:s11] =	ssyncset.done $0x0  }
0x249: {  	[sflag:s11] =	ssyncadd.s32 $0xFFFFE000  }
0x24a: {  	[tilespmem:s5], [sflag:$0x3] =	stream.indirect.gather [hbm4b:s3+s10], $0x40, s19, s10, $0xb8;
	[tilespmem:$0x9000] =	vst v63  }
0x24b: {  	_ =	swait.ge [sflag:s16], $0x2000  }
0x24c: {  	[sflag:s16] =	ssyncset.done $0x0  }
0x24d: {  	s17 =	rddreg [dreg:$0x1e];
	[sflag:s16] =	ssyncadd.s32 $0xFFFFE000  }
0x24e: {  	[hbm4b:s17+s2] =	stream.linear.scatter [tilespmem:s4], [sflag:$0x8], $0x2000, $0x38;
	[tilespmem:$0x9000] =	vst v63  }
0x24f: {  	_ =	swait.ge [sflag:s12], $0x2000  }
0x250: {  	[sflag:s12] =	ssyncset.done $0x0  }
0x251: {  	[sflag:s12] =	ssyncadd.s32 $0xFFFFE000  }
0x252: {  	[tilespmem:s4], [sflag:$0x4] =	stream.indirect.gather [hbm4b:s3+s10], $0x40, s18, s10, $0xb8;
	[tilespmem:$0x9000] =	vst v63  }
0x253: {  	_ =	swait.ge [sflag:s13], $0x2000  }
0x254: {  	[sflag:s13] =	ssyncset.done $0x0  }
0x255: {  	s17 =	rddreg [dreg:$0x1f];
	[sflag:s13] =	ssyncadd.s32 $0xFFFFE000  }
0x256: {  	[hbm4b:s17+s2] =	stream.linear.scatter [tilespmem:s8], [sflag:$0x5], $0x2000, $0x38;
	[tilespmem:$0x9000] =	vst v63  }
0x257: {  	_ =	swait.ge [sflag:s14], $0x2000  }
0x258: {  	s17 =	sld [smem:$0x7E9]  }
0x259: {  	[sflag:s14] =	ssyncset.done $0x0  }
0x25a: {  	[sflag:s14] =	ssyncadd.s32 $0xFFFFE000  }
0x25b: {  	[hbm4b:s17+s2] =	stream.linear.scatter [tilespmem:s7], [sflag:$0x6], $0x2000, $0x38;
	[tilespmem:$0x9000] =	vst v63  }
0x25c: {  	_ =	swait.ge [sflag:s15], $0x2000  }
0x25d: {  	s17 =	sld [smem:$0x7EA]  }
0x25e: {  	[sflag:s15] =	ssyncset.done $0x0  }
0x25f: {  	[sflag:s15] =	ssyncadd.s32 $0xFFFFE000  }
0x260: {  	[hbm4b:s17+s2] =	stream.linear.scatter [tilespmem:s5], [sflag:$0x7], $0x2000, $0x38;
	[tilespmem:$0x9000] =	vst v63  }
0x261: {  	_ =	swait.ge [sflag:s16], $0x2000  }
0x262: {  	s17 =	sld [smem:$0x7EB]  }
0x263: {  	[sflag:s16] =	ssyncset.done $0x0  }
0x264: {  	[sflag:s16] =	ssyncadd.s32 $0xFFFFE000  }
0x265: {  	[hbm4b:s17+s2] =	stream.linear.scatter [tilespmem:s4], [sflag:$0x8], $0x2000, $0x38;
	[tilespmem:$0x9000] =	vst v63  }
0x266: {  	_ =	swait.ge [sflag:s6], $0x2000  }
0x267: {  	[sflag:s6] =	ssyncset.done $0x0  }
0x268: {  	[sflag:s6] =	ssyncadd.s32 $0xFFFFE000  }
0x269: {  	_ =	swait.ge [sflag:s9], $0x2000  }
0x26a: {  	[sflag:s9] =	ssyncset.done $0x0  }
0x26b: {  	p1 =	sne.s32 s1, $0x1;
	[sflag:s9] =	ssyncadd.s32 $0xFFFFE000  }
.Ltmp2:
0x26c: {  	_ =	swait.ge [sflag:s11], $0x2000;
	(pc) =	sbr.rel @p1 .LBB2_4-.Ltmp2, $4  }
0x26d: {  	[sflag:s11] =	ssyncset.done $0x0  }
0x26e: {  	[sflag:s11] =	ssyncadd.s32 $0xFFFFE000  }
0x26f: {  	_ =	swait.ge [sflag:s12], $0x2000  }
0x270: {  	s1 =	sadd.s32 $0xFFFFFFFF, s1;
	s0 =	rddreg [dreg:$0x3];
	[sflag:s12] =	ssyncset.done $0x0  }
0x271: {  	s18 =	simm.s32 $0xA00;
	s29 =	simm.s32 $0xA80;
	s28 =	simm.s32 $0xB00  }
0x272: {  	s26 =	simm.s32 $0xB80;
	s25 =	simm.s32 $0xC00;
	s24 =	simm.s32 $0xC80  }
0x273: {  	s23 =	simm.s32 $0xD00;
	s22 =	simm.s32 $0xD80;
	s21 =	simm.s32 $0xE00  }
0x274: {  	s20 =	simm.s32 $0xE80;
	s19 =	simm.s32 $0xF00;
	s17 =	stileid.u32  }
.LBB2_6:
0x275: {  	[sflag:s12] =	ssyncadd.s32 @p0 $0xFFFFE000  }
0x276: {  	[tilespmem:s2], [sflag:$0x9] =	stream.linear.gather [hbm4b:s0+s2], $0x1000, $0x38;
	[tilespmem:$0x9000] =	vst v63  }
0x277: {  	_ =	swait.ge [sflag:s31], $0x1000  }
0x278: {  	[sflag:s31] =	ssyncset.done $0x0  }
0x279: {  	[sflag:s31] =	ssyncadd.s32 $0xFFFFF000  }
0x27a: {  	[tilespmem:s8], [sflag:$0x1] =	stream.indirect.gather [hbm4b:s3+s10], $0x40, s2, s10, $0xb8;
	[tilespmem:$0x9000] =	vst v63  }
0x27b: {  	s31 =	sld [smem:$0x7EC]  }
0x27c: {  	[tilespmem:s7], [sflag:$0x2] =	stream.indirect.gather [hbm4b:s3+s10], $0x40, s10, s10, $0xb8;
	[tilespmem:$0x9000] =	vst v63  }
0x27d: {  	s1 =	sld [smem:$0x7ED]  }
0x27e: {  	[tilespmem:s5], [sflag:$0x3] =	stream.indirect.gather [hbm4b:s3+s10], $0x40, s31, s10, $0xb8;
	[tilespmem:$0x9000] =	vst v63  }
0x27f: {  	_ = 	snop  }
0x280: {  	[tilespmem:s4], [sflag:$0x4] =	stream.indirect.gather [hbm4b:s3+s10], $0x40, s1, s10, $0xb8;
	[tilespmem:$0x9000] =	vst v63  }
0x281: {  	_ =	swait.ge [sflag:s13], $0x2000  }
0x282: {  	[sflag:s13] =	ssyncset.done $0x0  }
0x283: {  	[sflag:s13] =	ssyncadd.s32 $0xFFFFE000  }
0x284: {  	[hbm4b:s30+s2] =	stream.linear.scatter [tilespmem:s8], [sflag:$0x5], $0x2000, $0x38;
	[tilespmem:$0x9000] =	vst v63  }
0x285: {  	_ =	swait.ge [sflag:s6], $0x2000  }
0x286: {  	s30 =	sld [smem:$0x7EE]  }
0x287: {  	[sflag:s6] =	ssyncset.done $0x0  }
0x288: {  	[sflag:s6] =	ssyncadd.s32 $0xFFFFE000  }
0x289: {  	[tilespmem:s8], [sflag:$0x1] =	stream.indirect.gather [hbm4b:s3+s10], $0x40, s30, s10, $0xb8;
	[tilespmem:$0x9000] =	vst v63  }
0x28a: {  	_ =	swait.ge [sflag:s14], $0x2000  }
0x28b: {  	[sflag:s14] =	ssyncset.done $0x0  }
0x28c: {  	s31 =	rddreg [dreg:$0x4];
	[sflag:s14] =	ssyncadd.s32 $0xFFFFE000  }
0x28d: {  	[hbm4b:s31+s2] =	stream.linear.scatter [tilespmem:s7], [sflag:$0x6], $0x2000, $0x38;
	[tilespmem:$0x9000] =	vst v63  }
0x28e: {  	_ =	swait.ge [sflag:s9], $0x2000  }
0x28f: {  	s1 =	sld [smem:$0x7EF]  }
0x290: {  	[sflag:s9] =	ssyncset.done $0x0  }
0x291: {  	[sflag:s9] =	ssyncadd.s32 $0xFFFFE000  }
0x292: {  	[tilespmem:s7], [sflag:$0x2] =	stream.indirect.gather [hbm4b:s3+s10], $0x40, s1, s10, $0xb8;
	[tilespmem:$0x9000] =	vst v63  }
0x293: {  	_ =	swait.ge [sflag:s15], $0x2000  }
0x294: {  	[sflag:s15] =	ssyncset.done $0x0  }
0x295: {  	s30 =	rddreg [dreg:$0x5];
	[sflag:s15] =	ssyncadd.s32 $0xFFFFE000  }
0x296: {  	[hbm4b:s30+s2] =	stream.linear.scatter [tilespmem:s5], [sflag:$0x7], $0x2000, $0x38;
	[tilespmem:$0x9000] =	vst v63  }
0x297: {  	_ =	swait.ge [sflag:s11], $0x2000  }
0x298: {  	s31 =	sld [smem:$0x7F0]  }
0x299: {  	[sflag:s11] =	ssyncset.done $0x0  }
0x29a: {  	[sflag:s11] =	ssyncadd.s32 $0xFFFFE000  }
0x29b: {  	[tilespmem:s5], [sflag:$0x3] =	stream.indirect.gather [hbm4b:s3+s10], $0x40, s31, s10, $0xb8;
	[tilespmem:$0x9000] =	vst v63  }
0x29c: {  	_ =	swait.ge [sflag:s16], $0x2000  }
0x29d: {  	[sflag:s16] =	ssyncset.done $0x0  }
0x29e: {  	s1 =	rddreg [dreg:$0x6];
	[sflag:s16] =	ssyncadd.s32 $0xFFFFE000  }
0x29f: {  	[hbm4b:s1+s2] =	stream.linear.scatter [tilespmem:s4], [sflag:$0x8], $0x2000, $0x38;
	[tilespmem:$0x9000] =	vst v63  }
0x2a0: {  	_ =	swait.ge [sflag:s12], $0x2000  }
0x2a1: {  	s30 =	sld [smem:$0x7F1]  }
0x2a2: {  	[sflag:s12] =	ssyncset.done $0x0  }
0x2a3: {  	[sflag:s12] =	ssyncadd.s32 $0xFFFFE000  }
0x2a4: {  	[tilespmem:s4], [sflag:$0x4] =	stream.indirect.gather [hbm4b:s3+s10], $0x40, s30, s10, $0xb8;
	[tilespmem:$0x9000] =	vst v63  }
0x2a5: {  	_ =	swait.ge [sflag:s13], $0x2000  }
0x2a6: {  	[sflag:s13] =	ssyncset.done $0x0  }
0x2a7: {  	s31 =	rddreg [dreg:$0x7];
	[sflag:s13] =	ssyncadd.s32 $0xFFFFE000  }
0x2a8: {  	[hbm4b:s31+s2] =	stream.linear.scatter [tilespmem:s8], [sflag:$0x5], $0x2000, $0x38;
	[tilespmem:$0x9000] =	vst v63  }
0x2a9: {  	_ =	swait.ge [sflag:s6], $0x2000  }
0x2aa: {  	s1 =	sld [smem:$0x7F2]  }
0x2ab: {  	[sflag:s6] =	ssyncset.done $0x0  }
0x2ac: {  	[sflag:s6] =	ssyncadd.s32 $0xFFFFE000  }
0x2ad: {  	[tilespmem:s8], [sflag:$0x1] =	stream.indirect.gather [hbm4b:s3+s10], $0x40, s1, s10, $0xb8;
	[tilespmem:$0x9000] =	vst v63  }
0x2ae: {  	_ =	swait.ge [sflag:s14], $0x2000  }
0x2af: {  	[sflag:s14] =	ssyncset.done $0x0  }
0x2b0: {  	s30 =	rddreg [dreg:$0x8];
	[sflag:s14] =	ssyncadd.s32 $0xFFFFE000  }
0x2b1: {  	[hbm4b:s30+s2] =	stream.linear.scatter [tilespmem:s7], [sflag:$0x6], $0x2000, $0x38;
	[tilespmem:$0x9000] =	vst v63  }
0x2b2: {  	_ =	swait.ge [sflag:s9], $0x2000  }
0x2b3: {  	s31 =	sld [smem:$0x7F3]  }
0x2b4: {  	[sflag:s9] =	ssyncset.done $0x0  }
0x2b5: {  	[sflag:s9] =	ssyncadd.s32 $0xFFFFE000  }
0x2b6: {  	[tilespmem:s7], [sflag:$0x2] =	stream.indirect.gather [hbm4b:s3+s10], $0x40, s31, s10, $0xb8;
	[tilespmem:$0x9000] =	vst v63  }
0x2b7: {  	_ =	swait.ge [sflag:s15], $0x2000  }
0x2b8: {  	[sflag:s15] =	ssyncset.done $0x0  }
0x2b9: {  	s1 =	rddreg [dreg:$0x9];
	[sflag:s15] =	ssyncadd.s32 $0xFFFFE000  }
0x2ba: {  	[hbm4b:s1+s2] =	stream.linear.scatter [tilespmem:s5], [sflag:$0x7], $0x2000, $0x38;
	[tilespmem:$0x9000] =	vst v63  }
0x2bb: {  	_ =	swait.ge [sflag:s11], $0x2000  }
0x2bc: {  	s30 =	sld [smem:$0x7F4]  }
0x2bd: {  	[sflag:s11] =	ssyncset.done $0x0  }
0x2be: {  	[sflag:s11] =	ssyncadd.s32 $0xFFFFE000  }
0x2bf: {  	[tilespmem:s5], [sflag:$0x3] =	stream.indirect.gather [hbm4b:s3+s10], $0x40, s30, s10, $0xb8;
	[tilespmem:$0x9000] =	vst v63  }
0x2c0: {  	_ =	swait.ge [sflag:s16], $0x2000  }
0x2c1: {  	[sflag:s16] =	ssyncset.done $0x0  }
0x2c2: {  	s31 =	rddreg [dreg:$0xa];
	[sflag:s16] =	ssyncadd.s32 $0xFFFFE000  }
0x2c3: {  	[hbm4b:s31+s2] =	stream.linear.scatter [tilespmem:s4], [sflag:$0x8], $0x2000, $0x38;
	[tilespmem:$0x9000] =	vst v63  }
0x2c4: {  	_ =	swait.ge [sflag:s12], $0x2000  }
0x2c5: {  	s1 =	sld [smem:$0x7F5]  }
0x2c6: {  	[sflag:s12] =	ssyncset.done $0x0  }
0x2c7: {  	[sflag:s12] =	ssyncadd.s32 $0xFFFFE000  }
0x2c8: {  	[tilespmem:s4], [sflag:$0x4] =	stream.indirect.gather [hbm4b:s3+s10], $0x40, s1, s10, $0xb8;
	[tilespmem:$0x9000] =	vst v63  }
0x2c9: {  	_ =	swait.ge [sflag:s13], $0x2000  }
0x2ca: {  	[sflag:s13] =	ssyncset.done $0x0  }
0x2cb: {  	s30 =	rddreg [dreg:$0xb];
	[sflag:s13] =	ssyncadd.s32 $0xFFFFE000  }
0x2cc: {  	[hbm4b:s30+s2] =	stream.linear.scatter [tilespmem:s8], [sflag:$0x5], $0x2000, $0x38;
	[tilespmem:$0x9000] =	vst v63  }
0x2cd: {  	_ =	swait.ge [sflag:s6], $0x2000  }
0x2ce: {  	s31 =	sld [smem:$0x7F6]  }
0x2cf: {  	[sflag:s6] =	ssyncset.done $0x0  }
0x2d0: {  	[sflag:s6] =	ssyncadd.s32 $0xFFFFE000  }
0x2d1: {  	[tilespmem:s8], [sflag:$0x1] =	stream.indirect.gather [hbm4b:s3+s10], $0x40, s31, s10, $0xb8;
	[tilespmem:$0x9000] =	vst v63  }
0x2d2: {  	_ =	swait.ge [sflag:s14], $0x2000  }
0x2d3: {  	[sflag:s14] =	ssyncset.done $0x0  }
0x2d4: {  	s1 =	rddreg [dreg:$0xc];
	[sflag:s14] =	ssyncadd.s32 $0xFFFFE000  }
0x2d5: {  	[hbm4b:s1+s2] =	stream.linear.scatter [tilespmem:s7], [sflag:$0x6], $0x2000, $0x38;
	[tilespmem:$0x9000] =	vst v63  }
0x2d6: {  	_ =	swait.ge [sflag:s9], $0x2000  }
0x2d7: {  	s30 =	sld [smem:$0x7F7]  }
0x2d8: {  	[sflag:s9] =	ssyncset.done $0x0  }
0x2d9: {  	[sflag:s9] =	ssyncadd.s32 $0xFFFFE000  }
0x2da: {  	[tilespmem:s7], [sflag:$0x2] =	stream.indirect.gather [hbm4b:s3+s10], $0x40, s30, s10, $0xb8;
	[tilespmem:$0x9000] =	vst v63  }
0x2db: {  	_ =	swait.ge [sflag:s15], $0x2000  }
0x2dc: {  	[sflag:s15] =	ssyncset.done $0x0  }
0x2dd: {  	s31 =	rddreg [dreg:$0xd];
	[sflag:s15] =	ssyncadd.s32 $0xFFFFE000  }
0x2de: {  	[hbm4b:s31+s2] =	stream.linear.scatter [tilespmem:s5], [sflag:$0x7], $0x2000, $0x38;
	[tilespmem:$0x9000] =	vst v63  }
0x2df: {  	_ =	swait.ge [sflag:s11], $0x2000  }
0x2e0: {  	s1 =	sld [smem:$0x7F8]  }
0x2e1: {  	[sflag:s11] =	ssyncset.done $0x0  }
0x2e2: {  	[sflag:s11] =	ssyncadd.s32 $0xFFFFE000  }
0x2e3: {  	[tilespmem:s5], [sflag:$0x3] =	stream.indirect.gather [hbm4b:s3+s10], $0x40, s1, s10, $0xb8;
	[tilespmem:$0x9000] =	vst v63  }
0x2e4: {  	_ =	swait.ge [sflag:s16], $0x2000  }
0x2e5: {  	[sflag:s16] =	ssyncset.done $0x0  }
0x2e6: {  	s30 =	rddreg [dreg:$0xe];
	[sflag:s16] =	ssyncadd.s32 $0xFFFFE000  }
0x2e7: {  	[hbm4b:s30+s2] =	stream.linear.scatter [tilespmem:s4], [sflag:$0x8], $0x2000, $0x38;
	[tilespmem:$0x9000] =	vst v63  }
0x2e8: {  	_ =	swait.ge [sflag:s12], $0x2000  }
0x2e9: {  	s31 =	sld [smem:$0x7F9]  }
0x2ea: {  	[sflag:s12] =	ssyncset.done $0x0  }
0x2eb: {  	[sflag:s12] =	ssyncadd.s32 $0xFFFFE000  }
0x2ec: {  	[tilespmem:s4], [sflag:$0x4] =	stream.indirect.gather [hbm4b:s3+s10], $0x40, s31, s10, $0xb8;
	[tilespmem:$0x9000] =	vst v63  }
0x2ed: {  	_ =	swait.ge [sflag:s13], $0x2000  }
0x2ee: {  	[sflag:s13] =	ssyncset.done $0x0  }
0x2ef: {  	s1 =	rddreg [dreg:$0xf];
	[sflag:s13] =	ssyncadd.s32 $0xFFFFE000  }
0x2f0: {  	[hbm4b:s1+s2] =	stream.linear.scatter [tilespmem:s8], [sflag:$0x5], $0x2000, $0x38;
	[tilespmem:$0x9000] =	vst v63  }
0x2f1: {  	_ =	swait.ge [sflag:s6], $0x2000  }
0x2f2: {  	s30 =	sld [smem:$0x7FA]  }
0x2f3: {  	[sflag:s6] =	ssyncset.done $0x0  }
0x2f4: {  	[sflag:s6] =	ssyncadd.s32 $0xFFFFE000  }
0x2f5: {  	[tilespmem:s8], [sflag:$0x1] =	stream.indirect.gather [hbm4b:s3+s10], $0x40, s30, s10, $0xb8;
	[tilespmem:$0x9000] =	vst v63  }
0x2f6: {  	_ =	swait.ge [sflag:s14], $0x2000  }
0x2f7: {  	[sflag:s14] =	ssyncset.done $0x0  }
0x2f8: {  	s31 =	rddreg [dreg:$0x10];
	[sflag:s14] =	ssyncadd.s32 $0xFFFFE000  }
0x2f9: {  	[hbm4b:s31+s2] =	stream.linear.scatter [tilespmem:s7], [sflag:$0x6], $0x2000, $0x38;
	[tilespmem:$0x9000] =	vst v63  }
0x2fa: {  	_ =	swait.ge [sflag:s9], $0x2000  }
0x2fb: {  	s1 =	sld [smem:$0x7FB]  }
0x2fc: {  	[sflag:s9] =	ssyncset.done $0x0  }
0x2fd: {  	[sflag:s9] =	ssyncadd.s32 $0xFFFFE000  }
0x2fe: {  	[tilespmem:s7], [sflag:$0x2] =	stream.indirect.gather [hbm4b:s3+s10], $0x40, s1, s10, $0xb8;
	[tilespmem:$0x9000] =	vst v63  }
0x2ff: {  	_ =	swait.ge [sflag:s15], $0x2000  }
0x300: {  	[sflag:s15] =	ssyncset.done $0x0  }
0x301: {  	s30 =	rddreg [dreg:$0x11];
	[sflag:s15] =	ssyncadd.s32 $0xFFFFE000  }
0x302: {  	[hbm4b:s30+s2] =	stream.linear.scatter [tilespmem:s5], [sflag:$0x7], $0x2000, $0x38;
	[tilespmem:$0x9000] =	vst v63  }
0x303: {  	_ =	swait.ge [sflag:s11], $0x2000  }
0x304: {  	s31 =	sld [smem:$0x7FC]  }
0x305: {  	[sflag:s11] =	ssyncset.done $0x0  }
0x306: {  	[sflag:s11] =	ssyncadd.s32 $0xFFFFE000  }
0x307: {  	[tilespmem:s5], [sflag:$0x3] =	stream.indirect.gather [hbm4b:s3+s10], $0x40, s31, s10, $0xb8;
	[tilespmem:$0x9000] =	vst v63  }
0x308: {  	_ =	swait.ge [sflag:s16], $0x2000  }
0x309: {  	[sflag:s16] =	ssyncset.done $0x0  }
0x30a: {  	s1 =	rddreg [dreg:$0x12];
	[sflag:s16] =	ssyncadd.s32 $0xFFFFE000  }
0x30b: {  	[hbm4b:s1+s2] =	stream.linear.scatter [tilespmem:s4], [sflag:$0x8], $0x2000, $0x38;
	[tilespmem:$0x9000] =	vst v63  }
0x30c: {  	_ =	swait.ge [sflag:s12], $0x2000  }
0x30d: {  	s30 =	sld [smem:$0x7FD]  }
0x30e: {  	[sflag:s12] =	ssyncset.done $0x0  }
0x30f: {  	[sflag:s12] =	ssyncadd.s32 $0xFFFFE000  }
0x310: {  	[tilespmem:s4], [sflag:$0x4] =	stream.indirect.gather [hbm4b:s3+s10], $0x40, s30, s10, $0xb8;
	[tilespmem:$0x9000] =	vst v63  }
0x311: {  	_ =	swait.ge [sflag:s13], $0x2000  }
0x312: {  	[sflag:s13] =	ssyncset.done $0x0  }
0x313: {  	s31 =	rddreg [dreg:$0x13];
	[sflag:s13] =	ssyncadd.s32 $0xFFFFE000  }
0x314: {  	[hbm4b:s31+s2] =	stream.linear.scatter [tilespmem:s8], [sflag:$0x5], $0x2000, $0x38;
	[tilespmem:$0x9000] =	vst v63  }
0x315: {  	_ =	swait.ge [sflag:s6], $0x2000  }
0x316: {  	[sflag:s6] =	ssyncset.done $0x0  }
0x317: {  	[sflag:s6] =	ssyncadd.s32 $0xFFFFE000  }
0x318: {  	[tilespmem:s8], [sflag:$0x1] =	stream.indirect.gather [hbm4b:s3+s10], $0x40, s18, s10, $0xb8;
	[tilespmem:$0x9000] =	vst v63  }
0x319: {  	_ =	swait.ge [sflag:s14], $0x2000  }
0x31a: {  	[sflag:s14] =	ssyncset.done $0x0  }
0x31b: {  	s1 =	rddreg [dreg:$0x14];
	[sflag:s14] =	ssyncadd.s32 $0xFFFFE000  }
0x31c: {  	[hbm4b:s1+s2] =	stream.linear.scatter [tilespmem:s7], [sflag:$0x6], $0x2000, $0x38;
	[tilespmem:$0x9000] =	vst v63  }
0x31d: {  	_ =	swait.ge [sflag:s9], $0x2000  }
0x31e: {  	[sflag:s9] =	ssyncset.done $0x0  }
0x31f: {  	[sflag:s9] =	ssyncadd.s32 $0xFFFFE000  }
0x320: {  	[tilespmem:s7], [sflag:$0x2] =	stream.indirect.gather [hbm4b:s3+s10], $0x40, s29, s10, $0xb8;
	[tilespmem:$0x9000] =	vst v63  }
0x321: {  	_ =	swait.ge [sflag:s15], $0x2000  }
0x322: {  	[sflag:s15] =	ssyncset.done $0x0  }
0x323: {  	s18 =	rddreg [dreg:$0x15];
	[sflag:s15] =	ssyncadd.s32 $0xFFFFE000  }
0x324: {  	[hbm4b:s18+s2] =	stream.linear.scatter [tilespmem:s5], [sflag:$0x7], $0x2000, $0x38;
	[tilespmem:$0x9000] =	vst v63  }
0x325: {  	_ =	swait.ge [sflag:s11], $0x2000  }
0x326: {  	[sflag:s11] =	ssyncset.done $0x0  }
0x327: {  	[sflag:s11] =	ssyncadd.s32 $0xFFFFE000  }
0x328: {  	[tilespmem:s5], [sflag:$0x3] =	stream.indirect.gather [hbm4b:s3+s10], $0x40, s28, s10, $0xb8;
	[tilespmem:$0x9000] =	vst v63  }
0x329: {  	_ =	swait.ge [sflag:s16], $0x2000  }
0x32a: {  	[sflag:s16] =	ssyncset.done $0x0  }
0x32b: {  	s29 =	rddreg [dreg:$0x16];
	[sflag:s16] =	ssyncadd.s32 $0xFFFFE000  }
0x32c: {  	[hbm4b:s29+s2] =	stream.linear.scatter [tilespmem:s4], [sflag:$0x8], $0x2000, $0x38;
	[tilespmem:$0x9000] =	vst v63  }
0x32d: {  	_ =	swait.ge [sflag:s12], $0x2000  }
0x32e: {  	[sflag:s12] =	ssyncset.done $0x0  }
0x32f: {  	[sflag:s12] =	ssyncadd.s32 $0xFFFFE000  }
0x330: {  	[tilespmem:s4], [sflag:$0x4] =	stream.indirect.gather [hbm4b:s3+s10], $0x40, s26, s10, $0xb8;
	[tilespmem:$0x9000] =	vst v63  }
0x331: {  	_ =	swait.ge [sflag:s13], $0x2000  }
0x332: {  	[sflag:s13] =	ssyncset.done $0x0  }
0x333: {  	s30 =	rddreg [dreg:$0x17];
	[sflag:s13] =	ssyncadd.s32 $0xFFFFE000  }
0x334: {  	[hbm4b:s30+s2] =	stream.linear.scatter [tilespmem:s8], [sflag:$0x5], $0x2000, $0x38;
	[tilespmem:$0x9000] =	vst v63  }
0x335: {  	_ =	swait.ge [sflag:s6], $0x2000  }
0x336: {  	[sflag:s6] =	ssyncset.done $0x0  }
0x337: {  	[sflag:s6] =	ssyncadd.s32 $0xFFFFE000  }
0x338: {  	[tilespmem:s8], [sflag:$0x1] =	stream.indirect.gather [hbm4b:s3+s10], $0x40, s25, s10, $0xb8;
	[tilespmem:$0x9000] =	vst v63  }
0x339: {  	_ =	swait.ge [sflag:s14], $0x2000  }
0x33a: {  	[sflag:s14] =	ssyncset.done $0x0  }
0x33b: {  	s31 =	rddreg [dreg:$0x18];
	[sflag:s14] =	ssyncadd.s32 $0xFFFFE000  }
0x33c: {  	[hbm4b:s31+s2] =	stream.linear.scatter [tilespmem:s7], [sflag:$0x6], $0x2000, $0x38;
	[tilespmem:$0x9000] =	vst v63  }
0x33d: {  	_ =	swait.ge [sflag:s9], $0x2000  }
0x33e: {  	[sflag:s9] =	ssyncset.done $0x0  }
0x33f: {  	[sflag:s9] =	ssyncadd.s32 $0xFFFFE000  }
0x340: {  	[tilespmem:s7], [sflag:$0x2] =	stream.indirect.gather [hbm4b:s3+s10], $0x40, s24, s10, $0xb8;
	[tilespmem:$0x9000] =	vst v63  }
0x341: {  	_ =	swait.ge [sflag:s15], $0x2000  }
0x342: {  	[sflag:s15] =	ssyncset.done $0x0  }
0x343: {  	s1 =	rddreg [dreg:$0x19];
	[sflag:s15] =	ssyncadd.s32 $0xFFFFE000  }
0x344: {  	[hbm4b:s1+s2] =	stream.linear.scatter [tilespmem:s5], [sflag:$0x7], $0x2000, $0x38;
	[tilespmem:$0x9000] =	vst v63  }
0x345: {  	_ =	swait.ge [sflag:s11], $0x2000  }
0x346: {  	[sflag:s11] =	ssyncset.done $0x0  }
0x347: {  	[sflag:s11] =	ssyncadd.s32 $0xFFFFE000  }
0x348: {  	[tilespmem:s5], [sflag:$0x3] =	stream.indirect.gather [hbm4b:s3+s10], $0x40, s23, s10, $0xb8;
	[tilespmem:$0x9000] =	vst v63  }
0x349: {  	_ =	swait.ge [sflag:s16], $0x2000  }
0x34a: {  	[sflag:s16] =	ssyncset.done $0x0  }
0x34b: {  	s18 =	rddreg [dreg:$0x1a];
	[sflag:s16] =	ssyncadd.s32 $0xFFFFE000  }
0x34c: {  	[hbm4b:s18+s2] =	stream.linear.scatter [tilespmem:s4], [sflag:$0x8], $0x2000, $0x38;
	[tilespmem:$0x9000] =	vst v63  }
0x34d: {  	_ =	swait.ge [sflag:s12], $0x2000  }
0x34e: {  	[sflag:s12] =	ssyncset.done $0x0  }
0x34f: {  	[sflag:s12] =	ssyncadd.s32 $0xFFFFE000  }
0x350: {  	[tilespmem:s4], [sflag:$0x4] =	stream.indirect.gather [hbm4b:s3+s10], $0x40, s22, s10, $0xb8;
	[tilespmem:$0x9000] =	vst v63  }
0x351: {  	_ =	swait.ge [sflag:s13], $0x2000  }
0x352: {  	[sflag:s13] =	ssyncset.done $0x0  }
0x353: {  	s22 =	rddreg [dreg:$0x1b];
	[sflag:s13] =	ssyncadd.s32 $0xFFFFE000  }
0x354: {  	[hbm4b:s22+s2] =	stream.linear.scatter [tilespmem:s8], [sflag:$0x5], $0x2000, $0x38;
	[tilespmem:$0x9000] =	vst v63  }
0x355: {  	_ =	swait.ge [sflag:s6], $0x2000  }
0x356: {  	[sflag:s6] =	ssyncset.done $0x0  }
0x357: {  	[sflag:s6] =	ssyncadd.s32 $0xFFFFE000  }
0x358: {  	[tilespmem:s8], [sflag:$0x1] =	stream.indirect.gather [hbm4b:s3+s10], $0x40, s21, s10, $0xb8;
	[tilespmem:$0x9000] =	vst v63  }
0x359: {  	_ =	swait.ge [sflag:s14], $0x2000  }
0x35a: {  	[sflag:s14] =	ssyncset.done $0x0  }
0x35b: {  	s23 =	rddreg [dreg:$0x1c];
	[sflag:s14] =	ssyncadd.s32 $0xFFFFE000  }
0x35c: {  	[hbm4b:s23+s2] =	stream.linear.scatter [tilespmem:s7], [sflag:$0x6], $0x2000, $0x38;
	[tilespmem:$0x9000] =	vst v63  }
0x35d: {  	_ =	swait.ge [sflag:s9], $0x2000  }
0x35e: {  	[sflag:s9] =	ssyncset.done $0x0  }
0x35f: {  	[sflag:s9] =	ssyncadd.s32 $0xFFFFE000  }
0x360: {  	[tilespmem:s7], [sflag:$0x2] =	stream.indirect.gather [hbm4b:s3+s10], $0x40, s20, s10, $0xb8;
	[tilespmem:$0x9000] =	vst v63  }
0x361: {  	_ =	swait.ge [sflag:s15], $0x2000  }
0x362: {  	[sflag:s15] =	ssyncset.done $0x0  }
0x363: {  	s24 =	rddreg [dreg:$0x1d];
	[sflag:s15] =	ssyncadd.s32 $0xFFFFE000  }
0x364: {  	[hbm4b:s24+s2] =	stream.linear.scatter [tilespmem:s5], [sflag:$0x7], $0x2000, $0x38;
	[tilespmem:$0x9000] =	vst v63  }
0x365: {  	_ =	swait.ge [sflag:s11], $0x2000  }
0x366: {  	[sflag:s11] =	ssyncset.done $0x0  }
0x367: {  	[sflag:s11] =	ssyncadd.s32 $0xFFFFE000  }
0x368: {  	[tilespmem:s5], [sflag:$0x3] =	stream.indirect.gather [hbm4b:s3+s10], $0x40, s19, s10, $0xb8;
	[tilespmem:$0x9000] =	vst v63  }
0x369: {  	_ =	swait.ge [sflag:s16], $0x2000  }
0x36a: {  	[sflag:s16] =	ssyncset.done $0x0  }
0x36b: {  	s25 =	rddreg [dreg:$0x1e];
	[sflag:s16] =	ssyncadd.s32 $0xFFFFE000  }
0x36c: {  	[hbm4b:s25+s2] =	stream.linear.scatter [tilespmem:s4], [sflag:$0x8], $0x2000, $0x38;
	[tilespmem:$0x9000] =	vst v63  }
0x36d: {  	_ =	swait.ge [sflag:s12], $0x2000  }
0x36e: {  	[sflag:s12] =	ssyncset.done $0x0  }
0x36f: {  	s26 =	simm.s32 $0xF80;
	[sflag:s12] =	ssyncadd.s32 $0xFFFFE000  }
0x370: {  	[tilespmem:s4], [sflag:$0x4] =	stream.indirect.gather [hbm4b:s3+s10], $0x40, s26, s10, $0xb8;
	[tilespmem:$0x9000] =	vst v63  }
0x371: {  	_ =	swait.ge [sflag:s13], $0x2000  }
0x372: {  	[sflag:s13] =	ssyncset.done $0x0  }
0x373: {  	s28 =	rddreg [dreg:$0x1f];
	[sflag:s13] =	ssyncadd.s32 $0xFFFFE000  }
0x374: {  	[hbm4b:s28+s2] =	stream.linear.scatter [tilespmem:s8], [sflag:$0x5], $0x2000, $0x38;
	[tilespmem:$0x9000] =	vst v63  }
0x375: {  	_ =	swait.ge [sflag:s14], $0x2000  }
0x376: {  	s29 =	sld [smem:$0x7E9]  }
0x377: {  	[sflag:s14] =	ssyncset.done $0x0  }
0x378: {  	[sflag:s14] =	ssyncadd.s32 $0xFFFFE000  }
0x379: {  	[hbm4b:s29+s2] =	stream.linear.scatter [tilespmem:s7], [sflag:$0x6], $0x2000, $0x38;
	[tilespmem:$0x9000] =	vst v63  }
0x37a: {  	_ =	swait.ge [sflag:s15], $0x2000  }
0x37b: {  	s30 =	sld [smem:$0x7EA]  }
0x37c: {  	[sflag:s15] =	ssyncset.done $0x0  }
0x37d: {  	[sflag:s15] =	ssyncadd.s32 $0xFFFFE000  }
0x37e: {  	[hbm4b:s30+s2] =	stream.linear.scatter [tilespmem:s5], [sflag:$0x7], $0x2000, $0x38;
	[tilespmem:$0x9000] =	vst v63  }
0x37f: {  	_ =	swait.ge [sflag:s16], $0x2000  }
0x380: {  	s31 =	sld [smem:$0x7EB]  }
0x381: {  	[sflag:s16] =	ssyncset.done $0x0  }
0x382: {  	[sflag:s16] =	ssyncadd.s32 $0xFFFFE000  }
0x383: {  	[hbm4b:s31+s2] =	stream.linear.scatter [tilespmem:s4], [sflag:$0x8], $0x2000, $0x38;
	[tilespmem:$0x9000] =	vst v63  }
0x384: {  	_ =	swait.ge [sflag:s6], $0x2000  }
0x385: {  	[sflag:s6] =	ssyncset.done $0x0  }
0x386: {  	[sflag:s6] =	ssyncadd.s32 $0xFFFFE000  }
0x387: {  	_ =	swait.ge [sflag:s9], $0x2000  }
0x388: {  	[sflag:s9] =	ssyncset.done $0x0  }
0x389: {  	[sflag:s9] =	ssyncadd.s32 $0xFFFFE000  }
0x38a: {  	_ =	swait.ge [sflag:s11], $0x2000  }
0x38b: {  	[sflag:s11] =	ssyncset.done $0x0  }
0x38c: {  	[sflag:s11] =	ssyncadd.s32 $0xFFFFE000  }
0x38d: {  	_ =	swait.ge [sflag:s12], $0x2000  }
0x38e: {  	[sflag:s12] =	ssyncset.done $0x0  }
0x38f: {  	[sflag:s12] =	ssyncadd.s32 $0xFFFFE000  }
0x390: {  	_ =	sfence.sel $0x180000  }
0x391: {  	[bflag:$0x0] =	sbarrier.arrive $0xFFFF  }
0x392: {  	_ =	strace $0x90000047  }
0x393: {  	[bflag:$0x2] =	sbarrier.arrive $0xFFFF  }
0x394: {  	p0 =	sne.s32 s17, $0x0;
	s0 =	rddreg [dreg:$0x2]  }
0x395: {  	s0 =	sadd.s32 @!p0 $0x100000, s0  }
0x396: {  	[sflag:s0] =	ssyncadd.tile.s32 @!p0 $0x1;
	_ =	shalt  }
.LBB2_1:
.Ltmp3:
0x397: {  	(pc) =	sbr.rel .LBB2_6-.Ltmp3, $4  }
0x398: {  	s18 =	simm.s32 $0xA00;
	s29 =	simm.s32 $0xA80  }
0x399: {  	s28 =	simm.s32 $0xB00;
	s26 =	simm.s32 $0xB80;
	s25 =	simm.s32 $0xC00  }
0x39a: {  	s24 =	simm.s32 $0xC80;
	s23 =	simm.s32 $0xD00;
	s22 =	simm.s32 $0xD80  }
0x39b: {  	s21 =	simm.s32 $0xE00;
	s20 =	simm.s32 $0xE80;
	s19 =	simm.s32 $0xF00  }
.LBB2_3:
.Ltmp4:
0x39c: {  	(pc) =	sbr.rel .LBB2_6-.Ltmp4, $4  }
0x39d: {  	s18 =	simm.s32 $0xA00;
	s29 =	simm.s32 $0xA80;
	s28 =	simm.s32 $0xB00  }
0x39e: {  	s26 =	simm.s32 $0xB80;
	s25 =	simm.s32 $0xC00;
	s24 =	simm.s32 $0xC80  }
0x39f: {  	s23 =	simm.s32 $0xD00;
	s22 =	simm.s32 $0xD80;
	s21 =	simm.s32 $0xE00  }
0x3a0: {  	s20 =	simm.s32 $0xE80;
	s19 =	simm.s32 $0xF00;
	s17 =	stileid.u32  }
.Lfunc_end2:
_tile_overlayer_lowered:
.L_overlay_start_2:
0x3a1: {  	(tag) =	ssettag $0x2  }
0x3a2: {  	s0 =	rddreg [dreg:$0x0];
	s2 =	stileid.u32  }
0x3a3: {  	s1 =	rddreg [dreg:$0x1];
	p0 =	sne.s32 s2, $0x0  }
0x3a4: {  	s3 =	rddreg [dreg:$0x2];
	[bflag:$0x3] =	sbarrier.arrive $0xFFFF;
	s2 =	simm.s32 @!p0 $0x1C09  }
0x3a5: {  	[timem:s3], [sflag:s2] =	dma.local @!p0 [hbm:s0], s1  }
0x3a6: {  	s0 =	simm.s32 @!p0 $0x9  }
0x3a7: {  	_ =	swait.ge @!p0 [sflag:s0], s1  }
0x3a8: {  	s1 =	ssub.s32 @!p0 $0x0, s1;
	[sflag:s0] =	ssyncset.done @!p0 $0x0  }
0x3a9: {  	[sflag:s0] =	ssyncadd.s32 @!p0 s1  }
0x3aa: {  	[bflag:$0x3] =	sbarrier.arrive $0xFFFF  }
0x3ab: {  	_ =	shalt  }

// kernel: sparse-core-data-format-call.cloned.1.call-start
scs
called_computation_lowered:
.L_overlay_start_0:
0x0: {  	s2 =	sld [smem:$0x3FD9]  }
0x1: {  	s3 =	sld [smem:$0x3FFE];
	_ =	sdelay $0x1  }
0x2: {  	s1 =	srdreg.scid  }
0x3: {  	s0 =	sand.u32 $0x1, s1  }
0x4: {  	s18 =	sshll.u32 s0, $0xA;
	s2 =	sadd.s32 s3, s2  }
0x5: {  	s2 =	sadd.s32 s2, s18  }
0x6: {  	[smem:$0x3FC6] =	sst s2  }
0x7: {  	_ = 	snop  }
0x8: {  	s2 =	sld [smem:$0x3FD0];
	(tm) =	ssettm $0x1  }
0x9: {  	s19 =	sld [smem:$0x3FFB];
	_ =	sdelay $0x3  }
0xa: {  	_ =	strace s19  }
0xb: {  	s3 =	sld [smem:$0x3FFC];
	_ =	sdelay $0x3  }
0xc: {  	_ =	strace s3  }
0xd: {  	s3 =	sld [smem:$0x3FFD];
	_ =	sdelay $0x3  }
0xe: {  	_ =	strace s3  }
0xf: {  	_ =	strace $0x8FFFFFFF  }
0x10: {  	s20 =	sld [smem:$0x3FDB];
	_ =	sdelay $0x1  }
0x11: {  	s4 =	simm.s32 $_scs_section_size  }
0x12: {  	s5 =	simm.s32 $_size__tile_overlayer_lowered;
	s6 =	simm.s32 $_tile_overlayer_lowered  }
0x13: {  	s23 =	simm.s32 $0x1BFF;
	s22 =	sshll.u32 s6, $0x1;
	s3 =	sadd.s32 s4, s20  }
0x14: {  	s7 =	simm.s32 $0x0;
	s21 =	sshll.u32 s5, $0x1;
	s5 =	sadd.s32 s22, s3  }
0x15: {  	[timem:s7], [sflag:s23] =	dma.local [hbm:s5], s21  }
0x16: {  	_ =	swait.ge [sflag:s23], s21  }
0x17: {  	s4 =	ssub.s32 $0x0, s21;
	[sflag:s23] =	ssyncset.done $0x0  }
0x18: {  	[sflag:s23] =	ssyncadd.s32 s4;
	_ =	sdelay $0x1  }
0x19: {  	s24 =	simm.s32 $0x1B8B  }
0x1a: {  	_ =	swait.ge [sflag:s24], $0x1  }
0x1b: {  	[sflag:s24] =	ssyncset.done $0x0  }
0x1c: {  	s26 =	simm.s32 $0x1B8E;
	s25 =	sld [smem:$0x3FFE];
	[sflag:s24] =	ssyncadd.s32 $0xFFFFFFFF  }
0x1d: {  	s27 =	simm.s32 $execute0_lowered;
	[smem:$0x3FD2] =	sst s26  }
0x1e: {  	s5 =	sshll.u32 s27, $0x1;
	_ =	strace $0x80000049;
	[dreg:$0x1] =	wrdreg $0xFFFFFFFF  }
0x1f: {  	s28 =	simm.s32 $_size_execute0_lowered;
	s3 =	sadd.s32 s3, s5;
	[dreg:$0x0] =	wrdreg $0x0  }
0x20: {  	s5 =	sshll.u32 s28, $0x1;
	[dreg:$0x2] =	wrdreg s3  }
0x21: {  	[dreg:$0x3] =	wrdreg s5  }
0x22: {  	[dreg:$0x4] =	wrdreg $0xC0  }
0x23: {  	_ =	task [dreg:s7], $0x5FFFF  }
0x24: {  	[dreg:$0x1] =	wrdreg $0xFFFFFFFF  }
0x25: {  	[dreg:$0x0] =	wrdreg $0x60  }
0x26: {  	[dreg:$0x2] =	wrdreg s25  }
0x27: {  	[dreg:$0x3] =	wrdreg s2  }
0x28: {  	[dreg:$0x4] =	wrdreg $0x9  }
0x29: {  	_ =	task.clear_ibuf [dreg:s7], $0x5FFFF;
	_ =	strace $0x90000049  }
0x2a: {  	s29 =	simm.s32 $0x9;
	_ =	strace $0x8000004B  }
0x2b: {  	_ =	swait.ge [sflag:s29], $0x1  }
0x2c: {  	[sflag:s29] =	ssyncadd.s32 $0xFFFFFFFF  }
0x2d: {  	_ =	strace $0x9000004B  }
0x2e: {  	_ =	sfence  }
0x2f: {  	s30 =	sld [smem:$0x0];
	_ =	sdelay $0x2  }
0x30: {  	s31 =	sshll.u32 s1, $0xD;
	s1 =	sshrl.u32 s1, $0x2  }
0x31: {  	s3 =	sand.u32 $0x4000, s31;
	s1 =	sadd.s32 s1, s30  }
0x32: {  	s0 =	sor.u32 s3, s0;
	s1 =	sshll.u32 s1, $0x11  }
0x33: {  	s0 =	sor.u32 s1, s0  }
0x34: {  	s0 =	sadd.s32 $0x8F2B, s0  }
0x35: {  	[sflag:s0] =	ssyncadd.remote.s32 $0x1  }
0x36: {  	_ =	sfence.sel $0xFFFF  }
0x37: {  	[dreg:$0x0] =	wrdreg $0xFFFFFFFF;
	(pc) =	sbr.abs _section_cstart, $3  }
0x38: {  	[dreg:$0x1] =	wrdreg $0xFFFFFFFF  }
0x39: {  	_ =	task.clear_ibuf [dreg:s7], $0x2FFFF;
	_ =	strace $0x9FFFFFFF  }
0x3a: {  	(tm) =	ssettm $0x7FFFFFFF  }
0x3b: {  	_ =	shalt  }
tec
execute0_lowered:
.L_overlay_start_1:
0x0: {  	(tag) =	ssettag $0x1  }
0x1: {  	s0 =	srdreg.scid  }
0x2: {  	s7 =	rddreg [dreg:$0x0];
	s1 =	sshll.u32 s0, $0x4  }
0x3: {  	s3 =	rddreg [dreg:$0x1];
	s0 =	stileid.u32;
	s1 =	sand.u32 $0x10, s1  }
0x4: {  	s6 =	simm.s32 $0x1;
	s31 =	simm.s32 $0x2;
	s1 =	sor.u32 s0, s1  }
0x5: {  	s13 =	simm.s32 $0x0;
	s9 =	simm.s32 $0x2000;
	s2 =	sshll.u32 s1, $0x1  }
0x6: {  	s14 =	simm.s32 $0x0;
	s10 =	simm.s32 $0x0;
	s4 =	ssub.s32 $0x80, s2  }
0x7: {  	s12 =	simm.s32 $0x0;
	s1 =	rddreg [dreg:$0x2];
	s5 =	sand.u32 $0x3E, s4  }
.Ltmp0:
0x8: {  	_ =	strace $0x8000004A;
	p0 =	sne.s32 s5, $0x0;
	(pc) =	sbr.rel .LBB1_1-.Ltmp0, $4  }
0x9: {  	s11 =	smov.u32 s2;
	s8 =	sshrl.u32 s4, $0x6;
	s6 =	simm.s32 @!p0 $0x0  }
0xa: {  	s4 =	sadd.s32 $0x800, s7;
	s5 =	simm.s32 $0x1;
	s6 =	sadd.s32 s6, s8  }
0xb: {  	s7 =	sadd.s32 $0x4800, s7;
	[sflag:s5] =	ssyncpa.u1 $0x0;
	s6 =	sshll.u32 s6, $0x3  }
0xc: {  	p0 =	por $0x0, $0x0;
	[sflag:s31] =	ssyncpa.u1 $0x0;
	s8 =	sor.u32 $0x1, s6  }
.LBB1_7:
0xd: {  	s15 =	sadd.s32 $0x80, s10  }
0xe: {  	s13 =	sadd.s32 $0x40, s11;
	s17 =	smov.u32 s11;
	p2 =	sgt.s32 s15, $0x3FF  }
0xf: {  	s17 =	smov.u32 @p2 s13  }
0x10: {  	s15 =	simm.s32 @p2 $0x0;
	p2 =	sgt.s32 s17, $0x7F  }
0x11: {  	s17 =	smov.u32 @p2 s2;
	p2 =	sne.s32 s12, s8  }
.Ltmp1:
0x12: {  	p1 =	slt.u32 s12, $0x2;
	(pc) =	sbr.rel @!p2 .LBB1_8-.Ltmp1, $4  }
0x13: {  	s16 =	simm.s32 @!p1 $0x2  }
0x14: {  	s14 =	smov.u32 s11;
	p0 =	por !p0, !p0;
	_ =	swait.ge @!p1 [sflag:s16], $0x4000  }
0x15: {  	s13 =	smov.u32 s10;
	[sflag:s16] =	ssyncset.done @!p1 $0x0;
	s10 =	smov.u32 s15  }
0x16: {  	s12 =	sadd.s32 $0x1, s12;
	[sflag:s16] =	ssyncadd.s32 @!p1 $0xFFFFC000;
	s11 =	smov.u32 s17  }
.LBB1_1:
0x17: {  	p1 =	sge.u32 s12, s6  }
0x18: {  	s15 =	sxor.u32 @!p1 $0xFFFFFFFF, s12;
	s16 =	sshll.u32 @!p1 s11, $0xE  }
0x19: {  	s17 =	sshll.u32 @!p1 s10, $0x4;
	s19 =	simm.s32 @!p1 $0x40;
	s20 =	simm.s32 @!p1 $0x80  }
0x1a: {  	s15 =	sshll.u32 @!p1 s15, $0xE;
	s17 =	sand.u32 @!p1 $0x3FF0, s17;
	s18 =	sadd.s32 @!p1 s4, s16  }
0x1b: {  	s16 =	sadd.s32 @!p1 s16, s7;
	s15 =	sand.u32 @!p1 $0x4000, s15;
	s18 =	sadd.s32 @!p1 s17, s18  }
0x1c: {  	[tilespmem:s15], [sflag:$0x1] =	stream.strided.gather @!p1 [hbm4b:s18+s19], $0x2000, s20, s19, $0x38;
	[tilespmem:$0x10100] =	vst v63  }
0x1d: {  	s31 =	sadd.s32 $0xFFFFFFFF, s12;
	s16 =	sadd.s32 @!p1 s17, s16;
	s15 =	sor.u32 @!p1 $0x2000, s15  }
0x1e: {  	[tilespmem:s15], [sflag:$0x1] =	stream.strided.gather @!p1 [hbm4b:s16+s19], $0x2000, s20, s19, $0x38;
	[tilespmem:$0x10100] =	vst v63  }
0x1f: {  	p1 =	sge.u32 s31, s6  }
.Ltmp2:
0x20: {  	_ = 	snop;
	(pc) =	sbr.rel @p1 .LBB1_7-.Ltmp2, $1  }
0x21: {  	_ =	sdelay $0x3  }
0x22: {  	s15 =	simm.s32 $0x1;
	s17 =	sand.u32 $0x1, s12  }
0x23: {  	_ =	swait.ge [sflag:s5], $0x4000;
	s15 =	simm.s32 @!p0 $0x0;
	s17 =	smul.u32 $0x10200, s17  }
0x24: {  	p2 =	por $0x1, $0x1;
	[sflag:s5] =	ssyncset.done $0x0;
	s16 =	smul.u32 $0x10200, s15  }
0x25: {  	s18 =	sshll.u32 s15, $0x10;
	[sflag:s5] =	ssyncadd.s32 $0xFFFFC000;
	s30 =	sshrl.u32 s17, $0x2  }
0x26: {  	s31 =	sshrl.u32 s18, $0x2;
	s18 =	simm.s32 $0x0;
	s16 =	sshrl.u32 s16, $0x2  }
0x27: {  	s15 =	sor.u32 $0x8000, s30;
	s17 =	sadd.s32 $0x20, s31;
	s16 =	sor.u32 $0x8000, s16  }
.LBB1_3:
0x28: {  	s19 =	sshll.u32 s18, $0xD  }
0x29: {  	s19 =	sand.u32 $0x3FFFE000, s19  }
0x2a: {  	s21 =	sadd.s32 s19, s17  }
0x2b: {  	s31 =	smul.u32 $0x8100, s18;
	v3 =	vld [tilespmem:s21+$0x10]  }
0x2c: {  	v1 =	vld [tilespmem:s21+$0xFFFFFFF0]  }
0x2d: {  	s18 =	sshra.s32 s31, $0x2;
	v0 =	vld [tilespmem:s21+$0x0]  }
0x2e: {  	s18 =	sadd.s32 s18, s16;
	v2 =	vld [tilespmem:s21+$0xFFFFFFE0]  }
0x2f: {  	s19 =	sadd.s32 $0x0, s18  }
0x30: {  	p1 =	por p2, p2;
	s20 =	simm.s32 $0x4;
	s21 =	sadd.s32 $0x40, s21;
	[tilespmem:s19+$0x1830 ss:$0x81] =	vst.msk $0xffff, v3  }
.LBB1_4:
0x31: {  	v3 =	vld [tilespmem:s21+$0x10];
	p2 =	sne.s32 s20, $0x1FC;
	[tilespmem:s19+$0x810 ss:$0x81] =	vst.msk $0xffff, v1;
	s22 =	smov.u32 s20;
	s20 =	sadd.s32 $0x4, s20  }
.Ltmp3:
0x32: {  	v1 =	vld [tilespmem:s21+$0xFFFFFFF0];
	[tilespmem:s19+$0x1020 ss:$0x81] =	vst.msk $0xffff, v0;
	(pc) =	sbr.rel @p2 .LBB1_4-.Ltmp3, $4  }
0x33: {  	v0 =	vld [tilespmem:s21+$0x0];
	[tilespmem:s19+$0x0 ss:$0x81] =	vst.msk $0xffff, v2  }
0x34: {  	s19 =	sshra.s32 s22, $0x2;
	v2 =	vld [tilespmem:s21+$0xFFFFFFE0]  }
0x35: {  	s19 =	sadd.s32 s19, s18  }
0x36: {  	s21 =	sadd.s32 $0x40, s21;
	[tilespmem:s19+$0x1830 ss:$0x81] =	vst.msk $0xffff, v3  }
.Ltmp4:
0x37: {  	(pc) =	sbr.rel @p1 .LBB1_3-.Ltmp4, $4  }
0x38: {  	_ = 	snop  }
0x39: {  	[tilespmem:s19+$0x810 ss:$0x81] =	vst.msk $0xffff, v1  }
0x3a: {  	[tilespmem:s19+$0x1020 ss:$0x81] =	vst.msk $0xffff, v0  }
0x3b: {  	s18 =	simm.s32 $0x1;
	p2 =	por $0x0, $0x0;
	[tilespmem:s19+$0x0 ss:$0x81] =	vst.msk $0xffff, v2  }
.Ltmp5:
0x3c: {  	s16 =	sand.u32 $0x1F80, s13;
	s14 =	sshll.u32 s14, $0xD;
	(pc) =	sbr.rel .LBB1_7-.Ltmp5, $4  }
0x3d: {  	s17 =	sshrl.u32 s13, $0x3;
	s31 =	sand.u32 $0x7, s13;
	s14 =	sadd.s32 s3, s14  }
0x3e: {  	s17 =	sand.u32 $0xF, s17;
	s13 =	sshll.u32 s31, $0x12;
	s14 =	sadd.s32 s16, s14  }
0x3f: {  	s13 =	sor.u32 $0x400, s13;
	s14 =	sadd.s32 s17, s14  }
0x40: {  	[hbm4b:s14+s13] =	stream.strided.scatter [tilespmem:s15], [sflag:$0x2], $0x4000, s9, s13, $0x20;
	[tilespmem:$0x10100] =	vst v63  }
.LBB1_8:
0x41: {  	_ =	sfence.sel $0x180000  }
0x42: {  	s2 =	simm.s32 $0x1;
	[bflag:$0x0] =	sbarrier.arrive $0xFFFF  }
0x43: {  	s31 =	simm.s32 $0x2;
	[sflag:s2] =	ssyncpa.u1 $0x1  }
0x44: {  	[sflag:s31] =	ssyncpa.u1 $0x1  }
0x45: {  	p0 =	sne.s32 s0, $0x0;
	_ =	strace $0x9000004A  }
0x46: {  	s0 =	sadd.s32 @!p0 $0x100000, s1;
	[bflag:$0x2] =	sbarrier.arrive $0xFFFF  }
0x47: {  	[sflag:s0] =	ssyncadd.tile.s32 @!p0 $0x1;
	_ =	shalt  }
.Lfunc_end1:
_tile_overlayer_lowered:
.L_overlay_start_2:
0x48: {  	(tag) =	ssettag $0x2  }
0x49: {  	s0 =	rddreg [dreg:$0x0];
	s2 =	stileid.u32  }
0x4a: {  	s1 =	rddreg [dreg:$0x1];
	p0 =	sne.s32 s2, $0x0  }
0x4b: {  	s3 =	rddreg [dreg:$0x2];
	[bflag:$0x3] =	sbarrier.arrive $0xFFFF;
	s2 =	simm.s32 @!p0 $0x1C01  }
0x4c: {  	[timem:s3], [sflag:s2] =	dma.local @!p0 [hbm:s0], s1  }
0x4d: {  	s0 =	simm.s32 @!p0 $0x1  }
0x4e: {  	_ =	swait.ge @!p0 [sflag:s0], s1  }
0x4f: {  	s1 =	ssub.s32 @!p0 $0x0, s1;
	[sflag:s0] =	ssyncset.done @!p0 $0x0  }
0x50: {  	[sflag:s0] =	ssyncadd.s32 @!p0 s1  }
0x51: {  	[bflag:$0x3] =	sbarrier.arrive $0xFFFF  }
0x52: {  	_ =	shalt  }

</sc_bundles>
